<compile_context>
chip_gen: v7x
topology: tpu7x:2x2x1
jax: 0.10.2.dev20260603
libtpu: 0.0.44.dev20260713+nightly
codegen_flags: <defaults>
</compile_context>

<pallas_src>
import functools

import jax
import jax.numpy as jnp
from jax import lax
from jax.experimental import pallas as pl
from jax.experimental.pallas import tpu as pltpu
from jax.experimental.pallas import tpu_sc as plsc

B = 16
N_OBJ = 128
N_PRED = 32
FEAT = 64
N_ATOMS = 500000
N_NEURAL = 200000
N_BG = 50000

NC = 2
NS = 16
NW = NC * NS

TW = 4104
ONE_SLOT = 4096
ZERO_SLOT = 4097
TABLE_N = B * TW

ADDR_N = 501760
INIT_CHUNK = 2048
N_INIT_CHUNKS = 245

NEUR_W = 12544
NHALF = 6272
BG_W = 3136

CH = 768
N_FULL = 651
TAIL = 32
N_SLOTS = 22


def _tc_table(z3, w):
    def body(z_ref, w_ref, o_ref):
        z2 = z_ref[...].reshape(B * N_OBJ, FEAT)
        s = lax.dot_general(z2, w_ref[...], (((1,), (1,)), ((), ())),
                            preferred_element_type=jnp.float32)
        o_ref[...] = jax.nn.sigmoid(s)
    return pl.pallas_call(
        body,
        out_shape=jax.ShapeDtypeStruct((B * N_OBJ, N_PRED), jnp.float32),
    )(z3, w)


def _sc_build(table, nidx, obj, prd, bg):
    i32 = jnp.int32
    f32 = jnp.float32
    mesh = plsc.VectorSubcoreMesh(core_axis_name="c", subcore_axis_name="s",
                                  num_cores=NC, num_subcores=NS)

    @functools.partial(
        pl.kernel,
        out_type=jax.ShapeDtypeStruct((B, N_ATOMS), jnp.float32),
        mesh=mesh,
        scratch_types=[
            pltpu.VMEM_SHARED((ADDR_N,), i32),
            pltpu.VMEM_SHARED((TABLE_N,), f32),
            pltpu.SemaphoreType.DMA,
            pltpu.SemaphoreType.DMA,
            pltpu.SemaphoreType.DMA,
            pltpu.SemaphoreType.DMA,
        ],
        compiler_params=pltpu.CompilerParams(needs_layout_passes=False),
    )
    def body(table_h, nidx_h, obj_h, prd_h, bg_h, out_h, addr_sh, table_sp,
             semT, semA, semB, semC):
        c = lax.axis_index("c")
        s = lax.axis_index("s")
        wid = s * NC + c

        @pl.when(s == 0)
        def _():
            pltpu.async_copy(table_h, table_sp, semT)

        def scatter_scope(n1, n2, n3, n4, n5, bgi, bgv):
            zsplat = jnp.full((16,), ZERO_SLOT, i32)
            def fill_body(i, carry):
                n1[pl.ds(i * 16, 16)] = zsplat
                return carry
            lax.fori_loop(0, INIT_CHUNK // 16, fill_body, 0)

            def init_body(i, carry):
                cid = s + NS * i
                @pl.when(cid < N_INIT_CHUNKS)
                def _():
                    pltpu.sync_copy(n1.at[pl.ds(0, INIT_CHUNK)],
                                    addr_sh.at[pl.ds(cid * INIT_CHUNK,
                                                     INIT_CHUNK)])
                return carry
            lax.fori_loop(0, 16, init_body, 0)
            plsc.subcore_barrier()

            nb = jnp.minimum(s * NEUR_W, N_NEURAL - NEUR_W)
            b0 = nb
            b1 = jnp.minimum(nb + NHALF, N_NEURAL - NHALF)

            pltpu.sync_copy(nidx_h.at[pl.ds(b0, NHALF)], n1)
            pltpu.sync_copy(obj_h.at[pl.ds(b0, NHALF)], n2)
            pltpu.sync_copy(prd_h.at[pl.ds(b0, NHALF)], n3)
            def comb_body(g, carry):
                o = n2[pl.ds(g * 16, 16)]
                p = n3[pl.ds(g * 16, 16)]
                n2[pl.ds(g * 16, 16)] = o * N_PRED + p
                return carry
            lax.fori_loop(0, NHALF // 16, comb_body, 0)
            pltpu.async_copy(n2, addr_sh.at[n1], semA)

            pltpu.sync_copy(nidx_h.at[pl.ds(b1, NHALF)], n4)
            pltpu.sync_copy(obj_h.at[pl.ds(b1, NHALF)], n5)
            pltpu.sync_copy(prd_h.at[pl.ds(b1, NHALF)], n3)
            def comb_body2(g, carry):
                o = n5[pl.ds(g * 16, 16)]
                p = n3[pl.ds(g * 16, 16)]
                n5[pl.ds(g * 16, 16)] = o * N_PRED + p
                return carry
            lax.fori_loop(0, NHALF // 16, comb_body2, 0)
            pltpu.async_copy(n5, addr_sh.at[n4], semB)

            bgb = jnp.minimum(s * BG_W, N_BG - BG_W)
            pltpu.sync_copy(bg_h.at[pl.ds(bgb, BG_W)], bgi)
            osplat = jnp.full((16,), ONE_SLOT, i32)
            def bg_body(g, carry):
                bgv[pl.ds(g * 16, 16)] = osplat
                return carry
            lax.fori_loop(0, BG_W // 16, bg_body, 0)
            pltpu.async_copy(bgv, addr_sh.at[bgi], semC)

            pltpu.make_async_copy(n2, addr_sh.at[n1], semA).wait()
            pltpu.make_async_copy(n5, addr_sh.at[n4], semB).wait()
            pltpu.make_async_copy(bgv, addr_sh.at[bgi], semC).wait()

        pl.run_scoped(scatter_scope,
                      pltpu.VMEM((NHALF,), i32),
                      pltpu.VMEM((NHALF,), i32),
                      pltpu.VMEM((NHALF,), i32),
                      pltpu.VMEM((NHALF,), i32),
                      pltpu.VMEM((NHALF,), i32),
                      pltpu.VMEM((BG_W,), i32),
                      pltpu.VMEM((BG_W,), i32))
        @pl.when(s == 0)
        def _():
            pltpu.make_async_copy(table_h, table_sp, semT).wait()
        plsc.subcore_barrier()

        def dense_scope(table_v, addr_v, outA, outB, tail_v):
            pltpu.sync_copy(table_sp, table_v)
            lane = lax.broadcasted_iota(i32, (16,), 0)

            def gather_chunk(cbase, n, buf):
                pltpu.sync_copy(addr_sh.at[pl.ds(cbase, n)],
                                addr_v.at[pl.ds(0, n)])
                def g_body(g, carry2):
                    a = addr_v[pl.ds(g * 16, 16)]
                    for b in range(B):
                        fi = a + (b * TW)
                        v = plsc.load_gather(table_v, [fi])
                        buf[b, pl.ds(g * 16, 16)] = v
                    return carry2
                lax.fori_loop(0, n // 16, g_body, 0)

            def pipe_body(j, carry):
                for k, (buf, sem) in enumerate(((outA, semA), (outB, semB))):
                    t = 2 * j + k
                    cid = wid + NW * t
                    @pl.when((t >= 2) & (cid - 2 * NW < N_FULL))
                    def _():
                        pltpu.make_async_copy(
                            buf, out_h.at[:, pl.ds(0, CH)], sem).wait()
                    @pl.when(cid < N_FULL)
                    def _():
                        gather_chunk(cid * CH, CH, buf)
                        @pl.when(cid == 0)
                        def _():
                            for b in range(B):
                                v = buf[b, pl.ds(0, 16)]
                                buf[b, pl.ds(0, 16)] = jnp.where(
                                    lane == 1, jnp.float32(1.0), v)
                        pltpu.async_copy(buf,
                                         out_h.at[:, pl.ds(cid * CH, CH)],
                                         sem)
                    @pl.when(cid == N_FULL)
                    def _():
                        gather_chunk(N_FULL * CH, TAIL, tail_v)
                        pltpu.sync_copy(tail_v,
                                        out_h.at[:, pl.ds(N_FULL * CH,
                                                          TAIL)])
                return carry
            lax.fori_loop(0, N_SLOTS // 2, pipe_body, 0)
            @pl.when(wid + NW * 20 < N_FULL)
            def _():
                pltpu.make_async_copy(outA, out_h.at[:, pl.ds(0, CH)],
                                      semA).wait()

        pl.run_scoped(dense_scope,
                      pltpu.VMEM((TABLE_N,), f32),
                      pltpu.VMEM((CH,), i32),
                      pltpu.VMEM((B, CH), f32),
                      pltpu.VMEM((B, CH), f32),
                      pltpu.VMEM((B, TAIL), f32))

    return body(table, nidx, obj, prd, bg)


def kernel(Z, W, neural_atom_idx, atom_obj_idx, atom_pred_idx, bg_atom_idx,
           n_atoms):
    del n_atoms

    scores = _tc_table(Z, W)
    tail = jnp.tile(
        jnp.array([[1.0] + [0.0] * (TW - N_OBJ * N_PRED - 1)], jnp.float32),
        (B, 1))
    table = jnp.concatenate([scores.reshape(B, N_OBJ * N_PRED), tail],
                            axis=1).reshape(-1)
    return _sc_build(table, neural_atom_idx, atom_obj_idx, atom_pred_idx,
                     bg_atom_idx)

# --- scband reference (transcript-rebuilt; emitter-appended) ---
"""Pipeline reference for scband-facts-converter-28252294873653 (READ-ONLY COPY).

The authoritative reference and input builder live on the scoring server;
editing this copy changes nothing except your own understanding.
"""

import jax, jax.numpy as jnp
import numpy as np

N_ATOMS = 500000
N_NEURAL = 200000
N_BG = 50000
BATCH = 16
N_OBJ = 128
FEAT = 64
N_PRED = 32


def setup_inputs(seed: int = 0) -> dict:
    key = jax.random.key(seed)
    k1, k2, k3, k4, k5 = jax.random.split(key, 5)
    # Object-centric game-state tensor from the perception module
    Z = jax.random.normal(k1, (BATCH, N_OBJ, FEAT), dtype=jnp.float32)
    # Learned valuation-module predicate weights (one scorer per neural predicate)
    W = jax.random.normal(k2, (N_PRED, FEAT), dtype=jnp.float32) * 0.1
    # Ground-atom bookkeeping: atoms 0 and 1 are special (false/true).
    # Neural-predicate atoms and background atoms are disjoint (matches the
    # if/elif branching in FactsConverter.convert).
    perm = 2 + jax.random.permutation(k3, N_ATOMS - 2)
    neural_atom_idx = perm[:N_NEURAL].astype(jnp.int32)
    bg_atom_idx = perm[N_NEURAL:N_NEURAL + N_BG].astype(jnp.int32)
    # Each neural atom grounds a predicate applied to a specific object slot
    atom_obj_idx = jax.random.randint(k4, (N_NEURAL,), 0, N_OBJ, dtype=jnp.int32)
    atom_pred_idx = jax.random.randint(k5, (N_NEURAL,), 0, N_PRED, dtype=jnp.int32)
    return {
        "Z": Z,
        "W": W,
        "neural_atom_idx": neural_atom_idx,
        "atom_obj_idx": atom_obj_idx,
        "atom_pred_idx": atom_pred_idx,
        "bg_atom_idx": bg_atom_idx,
        "n_atoms": N_ATOMS,
    }


def reference(Z, W, neural_atom_idx, atom_obj_idx, atom_pred_idx, bg_atom_idx, n_atoms):
    batch = Z.shape[0]
    # Valuation module: score every (object, predicate) pair once, then gather
    # per ground atom. vm(Z, atom) == sigmoid(<Z[:, obj(atom)], W[pred(atom)]>)
    S = jax.nn.sigmoid(jnp.einsum('bof,pf->bop', Z, W))  # [B, N_OBJ, N_PRED]
    scores = S[:, atom_obj_idx, atom_pred_idx]           # [B, N_NEURAL] gather
    # V = torch.zeros((batch_size, len(G)))
    V = jnp.zeros((batch, N_ATOMS), dtype=jnp.float32)
    # if NeuralPredicate and i > 1: V[:, i] = vm(Z, atom)   (scatter-overwrite)
    V = V.at[:, neural_atom_idx].set(scores)
    # elif atom in B: V[:, i] += 1.0                        (scatter-add)
    V = V.at[:, bg_atom_idx].add(1.0)
    # V[:, 1] = 1.0  (the special 'true' atom)
    true_val = jnp.asarray(n_atoms, dtype=jnp.float32) * 0.0 + 1.0
    V = V.at[:, 1].set(true_val)
    return V

if __name__ == "__main__":
    import jax
    _d = setup_inputs()
    print(jax.jit(kernel)(*tuple(_d.values())))

</pallas_src>

<mosaic_0001>
#map = affine_map<(d0, d1) -> (0)>
#map1 = affine_map<(d0, d1) -> (0, 0)>
module attributes {stable_mosaic.version = 14 : i64} {
  func.func @body(%arg0: i32, %arg1: i32, %arg2: memref<65664xf32, #tpu.memory_space<hbm>>, %arg3: memref<200000xi32, #tpu.memory_space<hbm>>, %arg4: memref<200000xi32, #tpu.memory_space<hbm>>, %arg5: memref<200000xi32, #tpu.memory_space<hbm>>, %arg6: memref<50000xi32, #tpu.memory_space<hbm>>, %arg7: memref<16x500000xf32, #tpu.memory_space<hbm>>, %arg8: memref<501760xi32, #tpu.memory_space<vmem_shared>>, %arg9: memref<65664xf32, #tpu.memory_space<vmem_shared>>, %arg10: memref<!tpu.dma_semaphore, #tpu.memory_space<semaphore_mem>>, %arg11: memref<!tpu.dma_semaphore, #tpu.memory_space<semaphore_mem>>, %arg12: memref<!tpu.dma_semaphore, #tpu.memory_space<semaphore_mem>>, %arg13: memref<!tpu.dma_semaphore, #tpu.memory_space<semaphore_mem>>) attributes {dimension_semantics = [#tpu.dimension_semantics<core_parallel>, #tpu.dimension_semantics<subcore_parallel>], iteration_bounds = array<i64: 2, 16>, scalar_prefetch = 0 : i64, scratch_operands = 6 : i64, tpu.core_type = #tpu.core_type<sc_vector_subcore>, window_params = [{transform_indices = #map}, {transform_indices = #map}, {transform_indices = #map}, {transform_indices = #map}, {transform_indices = #map}, {transform_indices = #map1}]} {
    %mul3A = arith.constant 2 : i32
    %mul3A_0 = arith.muli %arg1, %mul3A : i32
    %add3A = arith.addi %mul3A_0, %arg0 : i32
    %eq3A = arith.constant 0 : i32
    %eq3A_1 = arith.cmpi eq, %arg1, %eq3A : i32
    %convert_element_type3A = arith.extui %eq3A_1 : i1 to i32
    %cond3A = arith.constant 0 : i32
    %cond3A_2 = arith.cmpi ne, %convert_element_type3A, %cond3A : i32
    scf.if %cond3A_2 {
      tpu.enqueue_dma source(%arg2 : memref<65664xf32, #tpu.memory_space<hbm>>) target(%arg9 : memref<65664xf32, #tpu.memory_space<vmem_shared>>) target_semaphore(%arg10 : memref<!tpu.dma_semaphore, #tpu.memory_space<semaphore_mem>>)
    } else {
    }
    "tpu.region"() ({
      %run_scoped3A = memref.alloca() : memref<6272xi32, #tpu.memory_space<vmem>>
      %run_scoped3A_8 = memref.alloca() : memref<6272xi32, #tpu.memory_space<vmem>>
      %run_scoped3A_9 = memref.alloca() : memref<6272xi32, #tpu.memory_space<vmem>>
      %run_scoped3A_10 = memref.alloca() : memref<6272xi32, #tpu.memory_space<vmem>>
      %run_scoped3A_11 = memref.alloca() : memref<6272xi32, #tpu.memory_space<vmem>>
      %run_scoped3A_12 = memref.alloca() : memref<3136xi32, #tpu.memory_space<vmem>>
      %run_scoped3A_13 = memref.alloca() : memref<3136xi32, #tpu.memory_space<vmem>>
      %broadcast_in_dim3A = arith.constant 4097 : i32
      %broadcast_in_dim3A_14 = vector.broadcast %broadcast_in_dim3A : i32 to vector<16xi32>
      %scan3A = arith.constant 0 : i32
      %scan3A_15 = arith.constant 0 : i32
      %scan3A_16 = arith.constant 128 : i32
      %scan3A_17 = arith.addi %scan3A_15, %scan3A_16 : i32
      %scan3A_18 = arith.constant 1 : i32
      scf.for %scan3A_68 = %scan3A_15 to %scan3A_17 step %scan3A_18  : i32 {
        %mul3A_69 = arith.constant 16 : i32
        %mul3A_70 = arith.muli %scan3A_68, %mul3A_69 : i32
        %swap3A = arith.index_cast %mul3A_70 : i32 to index
        %swap3A_71 = tpu.vector_load %run_scoped3A[%swap3A] {strides = array<i32>} : memref<6272xi32, #tpu.memory_space<vmem>>, vector<16xi32>,
        tpu.vector_store %run_scoped3A[%swap3A], %broadcast_in_dim3A_14 {strides = array<i32>} : memref<6272xi32, #tpu.memory_space<vmem>>, vector<16xi32>,
      }
      %scan3A_19 = arith.constant 128 : i32
      %scan3A_20 = arith.constant 0 : i32
      %scan3A_21 = arith.constant 0 : i32
      %scan3A_22 = arith.constant 16 : i32
      %scan3A_23 = arith.addi %scan3A_21, %scan3A_22 : i32
      %scan3A_24 = arith.constant 1 : i32
      scf.for %scan3A_68 = %scan3A_21 to %scan3A_23 step %scan3A_24  : i32 {
        %mul3A_69 = arith.constant 16 : i32
        %mul3A_70 = arith.muli %mul3A_69, %scan3A_68 : i32
        %add3A_71 = arith.addi %arg1, %mul3A_70 : i32
        %lt3A = arith.constant 245 : i32
        %lt3A_72 = arith.cmpi slt, %add3A_71, %lt3A : i32
        %convert_element_type3A_73 = arith.extui %lt3A_72 : i1 to i32
        %cond3A_74 = arith.constant 0 : i32
        %cond3A_75 = arith.cmpi ne, %convert_element_type3A_73, %cond3A_74 : i32
        scf.if %cond3A_75 {
          %mul3A_76 = arith.constant 2048 : i32
          %mul3A_77 = arith.muli %add3A_71, %mul3A_76 : i32
          "tpu.region"() ({
            %run_scoped3A_78 = tpu.sem_alloc : memref<!tpu.dma_semaphore, #tpu.memory_space<semaphore_mem>>
            %dma_start3A_79 = arith.constant 0 : i32
            %dma_start3A_80 = tpu.memref_slice %run_scoped3A[%dma_start3A_79] : memref<6272xi32, #tpu.memory_space<vmem>> -> memref<2048xi32, #tpu.memory_space<vmem>>
            %dma_start3A_81 = tpu.memref_slice %arg8[%mul3A_77] : memref<501760xi32, #tpu.memory_space<vmem_shared>> -> memref<2048xi32, #tpu.memory_space<vmem_shared>>
            %dma_start3A_82 = tpu.memref_slice %arg8[%mul3A_77] : memref<501760xi32, #tpu.memory_space<vmem_shared>> -> memref<2048xi32, #tpu.memory_space<vmem_shared>>
            %dma_start3A_83 = arith.constant 0 : i32
            %dma_start3A_84 = tpu.memref_slice %run_scoped3A[%dma_start3A_83] : memref<6272xi32, #tpu.memory_space<vmem>> -> memref<2048xi32, #tpu.memory_space<vmem>>
            tpu.enqueue_dma source(%dma_start3A_84 : memref<2048xi32, #tpu.memory_space<vmem>>) target(%dma_start3A_82 : memref<2048xi32, #tpu.memory_space<vmem_shared>>) target_semaphore(%run_scoped3A_78 : memref<!tpu.dma_semaphore, #tpu.memory_space<semaphore_mem>>)
            %dma_wait3A_85 = arith.constant 0 : i32
            %dma_wait3A_86 = tpu.memref_slice %run_scoped3A[%dma_wait3A_85] : memref<6272xi32, #tpu.memory_space<vmem>> -> memref<2048xi32, #tpu.memory_space<vmem>>
            %dma_wait3A_87 = tpu.memref_slice %arg8[%mul3A_77] : memref<501760xi32, #tpu.memory_space<vmem_shared>> -> memref<2048xi32, #tpu.memory_space<vmem_shared>>
            %dma_wait3A_88 = tpu.memref_slice %arg8[%mul3A_77] : memref<501760xi32, #tpu.memory_space<vmem_shared>> -> memref<2048xi32, #tpu.memory_space<vmem_shared>>
            %dma_wait3A_89 = arith.constant 0 : i32
            %dma_wait3A_90 = tpu.memref_slice %run_scoped3A[%dma_wait3A_89] : memref<6272xi32, #tpu.memory_space<vmem>> -> memref<2048xi32, #tpu.memory_space<vmem>>
            tpu.wait_dma2 semaphore(%run_scoped3A_78 : memref<!tpu.dma_semaphore, #tpu.memory_space<semaphore_mem>>) src(%dma_wait3A_90 : memref<2048xi32, #tpu.memory_space<vmem>>) dst(%dma_wait3A_88 : memref<2048xi32, #tpu.memory_space<vmem_shared>>)
            tpu.yield
          }) : () -> ()
        } else {
        }
      }
      %scan3A_25 = arith.constant 16 : i32
      %barrier3A_26 = arith.constant 0 : index
      tpu.barrier barrier_id(%barrier3A_26)
      %mul3A_27 = arith.constant 12544 : i32
      %mul3A_28 = arith.muli %arg1, %mul3A_27 : i32
      %min3A = arith.constant 187456 : i32
      %min3A_29 = arith.minsi %mul3A_28, %min3A : i32
      %add3A_30 = arith.constant 6272 : i32
      %add3A_31 = arith.addi %min3A_29, %add3A_30 : i32
      %min3A_32 = arith.constant 193728 : i32
      %min3A_33 = arith.minsi %add3A_31, %min3A_32 : i32
      "tpu.region"() ({
        %run_scoped3A_68 = tpu.sem_alloc : memref<!tpu.dma_semaphore, #tpu.memory_space<semaphore_mem>>
        %dma_start3A_69 = tpu.memref_slice %arg3[%min3A_29] : memref<200000xi32, #tpu.memory_space<hbm>> -> memref<6272xi32, #tpu.memory_space<hbm>>
        %dma_start3A_70 = tpu.memref_slice %arg3[%min3A_29] : memref<200000xi32, #tpu.memory_space<hbm>> -> memref<6272xi32, #tpu.memory_space<hbm>>
        tpu.enqueue_dma source(%dma_start3A_70 : memref<6272xi32, #tpu.memory_space<hbm>>) target(%run_scoped3A : memref<6272xi32, #tpu.memory_space<vmem>>) target_semaphore(%run_scoped3A_68 : memref<!tpu.dma_semaphore, #tpu.memory_space<semaphore_mem>>)
        %dma_wait3A_71 = tpu.memref_slice %arg3[%min3A_29] : memref<200000xi32, #tpu.memory_space<hbm>> -> memref<6272xi32, #tpu.memory_space<hbm>>
        %dma_wait3A_72 = tpu.memref_slice %arg3[%min3A_29] : memref<200000xi32, #tpu.memory_space<hbm>> -> memref<6272xi32, #tpu.memory_space<hbm>>
        tpu.wait_dma2 semaphore(%run_scoped3A_68 : memref<!tpu.dma_semaphore, #tpu.memory_space<semaphore_mem>>) src(%dma_wait3A_72 : memref<6272xi32, #tpu.memory_space<hbm>>) dst(%run_scoped3A : memref<6272xi32, #tpu.memory_space<vmem>>)
        tpu.yield
      }) : () -> ()
      "tpu.region"() ({
        %run_scoped3A_68 = tpu.sem_alloc : memref<!tpu.dma_semaphore, #tpu.memory_space<semaphore_mem>>
        %dma_start3A_69 = tpu.memref_slice %arg4[%min3A_29] : memref<200000xi32, #tpu.memory_space<hbm>> -> memref<6272xi32, #tpu.memory_space<hbm>>
        %dma_start3A_70 = tpu.memref_slice %arg4[%min3A_29] : memref<200000xi32, #tpu.memory_space<hbm>> -> memref<6272xi32, #tpu.memory_space<hbm>>
        tpu.enqueue_dma source(%dma_start3A_70 : memref<6272xi32, #tpu.memory_space<hbm>>) target(%run_scoped3A_8 : memref<6272xi32, #tpu.memory_space<vmem>>) target_semaphore(%run_scoped3A_68 : memref<!tpu.dma_semaphore, #tpu.memory_space<semaphore_mem>>)
        %dma_wait3A_71 = tpu.memref_slice %arg4[%min3A_29] : memref<200000xi32, #tpu.memory_space<hbm>> -> memref<6272xi32, #tpu.memory_space<hbm>>
        %dma_wait3A_72 = tpu.memref_slice %arg4[%min3A_29] : memref<200000xi32, #tpu.memory_space<hbm>> -> memref<6272xi32, #tpu.memory_space<hbm>>
        tpu.wait_dma2 semaphore(%run_scoped3A_68 : memref<!tpu.dma_semaphore, #tpu.memory_space<semaphore_mem>>) src(%dma_wait3A_72 : memref<6272xi32, #tpu.memory_space<hbm>>) dst(%run_scoped3A_8 : memref<6272xi32, #tpu.memory_space<vmem>>)
        tpu.yield
      }) : () -> ()
      "tpu.region"() ({
        %run_scoped3A_68 = tpu.sem_alloc : memref<!tpu.dma_semaphore, #tpu.memory_space<semaphore_mem>>
        %dma_start3A_69 = tpu.memref_slice %arg5[%min3A_29] : memref<200000xi32, #tpu.memory_space<hbm>> -> memref<6272xi32, #tpu.memory_space<hbm>>
        %dma_start3A_70 = tpu.memref_slice %arg5[%min3A_29] : memref<200000xi32, #tpu.memory_space<hbm>> -> memref<6272xi32, #tpu.memory_space<hbm>>
        tpu.enqueue_dma source(%dma_start3A_70 : memref<6272xi32, #tpu.memory_space<hbm>>) target(%run_scoped3A_9 : memref<6272xi32, #tpu.memory_space<vmem>>) target_semaphore(%run_scoped3A_68 : memref<!tpu.dma_semaphore, #tpu.memory_space<semaphore_mem>>)
        %dma_wait3A_71 = tpu.memref_slice %arg5[%min3A_29] : memref<200000xi32, #tpu.memory_space<hbm>> -> memref<6272xi32, #tpu.memory_space<hbm>>
        %dma_wait3A_72 = tpu.memref_slice %arg5[%min3A_29] : memref<200000xi32, #tpu.memory_space<hbm>> -> memref<6272xi32, #tpu.memory_space<hbm>>
        tpu.wait_dma2 semaphore(%run_scoped3A_68 : memref<!tpu.dma_semaphore, #tpu.memory_space<semaphore_mem>>) src(%dma_wait3A_72 : memref<6272xi32, #tpu.memory_space<hbm>>) dst(%run_scoped3A_9 : memref<6272xi32, #tpu.memory_space<vmem>>)
        tpu.yield
      }) : () -> ()
      %scan3A_34 = arith.constant 0 : i32
      %scan3A_35 = arith.constant 0 : i32
      %scan3A_36 = arith.constant 392 : i32
      %scan3A_37 = arith.addi %scan3A_35, %scan3A_36 : i32
      %scan3A_38 = arith.constant 1 : i32
      scf.for %scan3A_68 = %scan3A_35 to %scan3A_37 step %scan3A_38  : i32 {
        %mul3A_69 = arith.constant 16 : i32
        %mul3A_70 = arith.muli %scan3A_68, %mul3A_69 : i32
        %get3A = arith.index_cast %mul3A_70 : i32 to index
        %get3A_71 = tpu.vector_load %run_scoped3A_8[%get3A] {strides = array<i32>} : memref<6272xi32, #tpu.memory_space<vmem>>, vector<16xi32>,
        %mul3A_72 = arith.constant 16 : i32
        %mul3A_73 = arith.muli %scan3A_68, %mul3A_72 : i32
        %get3A_74 = arith.index_cast %mul3A_73 : i32 to index
        %get3A_75 = tpu.vector_load %run_scoped3A_9[%get3A_74] {strides = array<i32>} : memref<6272xi32, #tpu.memory_space<vmem>>, vector<16xi32>,
        %mul3A_76 = arith.constant 32 : i32
        %mul3A_77 = vector.broadcast %mul3A_76 : i32 to vector<16xi32>
        %mul3A_78 = arith.muli %get3A_71, %mul3A_77 : vector<16xi32>
        %add3A_79 = arith.addi %mul3A_78, %get3A_75 : vector<16xi32>
        %mul3A_80 = arith.constant 16 : i32
        %mul3A_81 = arith.muli %scan3A_68, %mul3A_80 : i32
        %swap3A = arith.index_cast %mul3A_81 : i32 to index
        %swap3A_82 = tpu.vector_load %run_scoped3A_8[%swap3A] {strides = array<i32>} : memref<6272xi32, #tpu.memory_space<vmem>>, vector<16xi32>,
        tpu.vector_store %run_scoped3A_8[%swap3A], %add3A_79 {strides = array<i32>} : memref<6272xi32, #tpu.memory_space<vmem>>, vector<16xi32>,
      }
      %scan3A_39 = arith.constant 392 : i32
      %dma_start3A = arith.constant 0 : i32
      %dma_start3A_40 = tpu.memref_slice %arg8[%dma_start3A] : memref<501760xi32, #tpu.memory_space<vmem_shared>> -> memref<501760xi32, #tpu.memory_space<vmem_shared>>
      tpu.enqueue_indirect_dma source(%run_scoped3A_8 : memref<6272xi32, #tpu.memory_space<vmem>>) target(%dma_start3A_40 : memref<501760xi32, #tpu.memory_space<vmem_shared>>) offsets(%run_scoped3A : memref<6272xi32, #tpu.memory_space<vmem>>) semaphore(%arg11 : memref<!tpu.dma_semaphore, #tpu.memory_space<semaphore_mem>>)
      "tpu.region"() ({
        %run_scoped3A_68 = tpu.sem_alloc : memref<!tpu.dma_semaphore, #tpu.memory_space<semaphore_mem>>
        %dma_start3A_69 = tpu.memref_slice %arg3[%min3A_33] : memref<200000xi32, #tpu.memory_space<hbm>> -> memref<6272xi32, #tpu.memory_space<hbm>>
        %dma_start3A_70 = tpu.memref_slice %arg3[%min3A_33] : memref<200000xi32, #tpu.memory_space<hbm>> -> memref<6272xi32, #tpu.memory_space<hbm>>
        tpu.enqueue_dma source(%dma_start3A_70 : memref<6272xi32, #tpu.memory_space<hbm>>) target(%run_scoped3A_10 : memref<6272xi32, #tpu.memory_space<vmem>>) target_semaphore(%run_scoped3A_68 : memref<!tpu.dma_semaphore, #tpu.memory_space<semaphore_mem>>)
        %dma_wait3A_71 = tpu.memref_slice %arg3[%min3A_33] : memref<200000xi32, #tpu.memory_space<hbm>> -> memref<6272xi32, #tpu.memory_space<hbm>>
        %dma_wait3A_72 = tpu.memref_slice %arg3[%min3A_33] : memref<200000xi32, #tpu.memory_space<hbm>> -> memref<6272xi32, #tpu.memory_space<hbm>>
        tpu.wait_dma2 semaphore(%run_scoped3A_68 : memref<!tpu.dma_semaphore, #tpu.memory_space<semaphore_mem>>) src(%dma_wait3A_72 : memref<6272xi32, #tpu.memory_space<hbm>>) dst(%run_scoped3A_10 : memref<6272xi32, #tpu.memory_space<vmem>>)
        tpu.yield
      }) : () -> ()
      "tpu.region"() ({
        %run_scoped3A_68 = tpu.sem_alloc : memref<!tpu.dma_semaphore, #tpu.memory_space<semaphore_mem>>
        %dma_start3A_69 = tpu.memref_slice %arg4[%min3A_33] : memref<200000xi32, #tpu.memory_space<hbm>> -> memref<6272xi32, #tpu.memory_space<hbm>>
        %dma_start3A_70 = tpu.memref_slice %arg4[%min3A_33] : memref<200000xi32, #tpu.memory_space<hbm>> -> memref<6272xi32, #tpu.memory_space<hbm>>
        tpu.enqueue_dma source(%dma_start3A_70 : memref<6272xi32, #tpu.memory_space<hbm>>) target(%run_scoped3A_11 : memref<6272xi32, #tpu.memory_space<vmem>>) target_semaphore(%run_scoped3A_68 : memref<!tpu.dma_semaphore, #tpu.memory_space<semaphore_mem>>)
        %dma_wait3A_71 = tpu.memref_slice %arg4[%min3A_33] : memref<200000xi32, #tpu.memory_space<hbm>> -> memref<6272xi32, #tpu.memory_space<hbm>>
        %dma_wait3A_72 = tpu.memref_slice %arg4[%min3A_33] : memref<200000xi32, #tpu.memory_space<hbm>> -> memref<6272xi32, #tpu.memory_space<hbm>>
        tpu.wait_dma2 semaphore(%run_scoped3A_68 : memref<!tpu.dma_semaphore, #tpu.memory_space<semaphore_mem>>) src(%dma_wait3A_72 : memref<6272xi32, #tpu.memory_space<hbm>>) dst(%run_scoped3A_11 : memref<6272xi32, #tpu.memory_space<vmem>>)
        tpu.yield
      }) : () -> ()
      "tpu.region"() ({
        %run_scoped3A_68 = tpu.sem_alloc : memref<!tpu.dma_semaphore, #tpu.memory_space<semaphore_mem>>
        %dma_start3A_69 = tpu.memref_slice %arg5[%min3A_33] : memref<200000xi32, #tpu.memory_space<hbm>> -> memref<6272xi32, #tpu.memory_space<hbm>>
        %dma_start3A_70 = tpu.memref_slice %arg5[%min3A_33] : memref<200000xi32, #tpu.memory_space<hbm>> -> memref<6272xi32, #tpu.memory_space<hbm>>
        tpu.enqueue_dma source(%dma_start3A_70 : memref<6272xi32, #tpu.memory_space<hbm>>) target(%run_scoped3A_9 : memref<6272xi32, #tpu.memory_space<vmem>>) target_semaphore(%run_scoped3A_68 : memref<!tpu.dma_semaphore, #tpu.memory_space<semaphore_mem>>)
        %dma_wait3A_71 = tpu.memref_slice %arg5[%min3A_33] : memref<200000xi32, #tpu.memory_space<hbm>> -> memref<6272xi32, #tpu.memory_space<hbm>>
        %dma_wait3A_72 = tpu.memref_slice %arg5[%min3A_33] : memref<200000xi32, #tpu.memory_space<hbm>> -> memref<6272xi32, #tpu.memory_space<hbm>>
        tpu.wait_dma2 semaphore(%run_scoped3A_68 : memref<!tpu.dma_semaphore, #tpu.memory_space<semaphore_mem>>) src(%dma_wait3A_72 : memref<6272xi32, #tpu.memory_space<hbm>>) dst(%run_scoped3A_9 : memref<6272xi32, #tpu.memory_space<vmem>>)
        tpu.yield
      }) : () -> ()
      %scan3A_41 = arith.constant 0 : i32
      %scan3A_42 = arith.constant 0 : i32
      %scan3A_43 = arith.constant 392 : i32
      %scan3A_44 = arith.addi %scan3A_42, %scan3A_43 : i32
      %scan3A_45 = arith.constant 1 : i32
      scf.for %scan3A_68 = %scan3A_42 to %scan3A_44 step %scan3A_45  : i32 {
        %mul3A_69 = arith.constant 16 : i32
        %mul3A_70 = arith.muli %scan3A_68, %mul3A_69 : i32
        %get3A = arith.index_cast %mul3A_70 : i32 to index
        %get3A_71 = tpu.vector_load %run_scoped3A_11[%get3A] {strides = array<i32>} : memref<6272xi32, #tpu.memory_space<vmem>>, vector<16xi32>,
        %mul3A_72 = arith.constant 16 : i32
        %mul3A_73 = arith.muli %scan3A_68, %mul3A_72 : i32
        %get3A_74 = arith.index_cast %mul3A_73 : i32 to index
        %get3A_75 = tpu.vector_load %run_scoped3A_9[%get3A_74] {strides = array<i32>} : memref<6272xi32, #tpu.memory_space<vmem>>, vector<16xi32>,
        %mul3A_76 = arith.constant 32 : i32
        %mul3A_77 = vector.broadcast %mul3A_76 : i32 to vector<16xi32>
        %mul3A_78 = arith.muli %get3A_71, %mul3A_77 : vector<16xi32>
        %add3A_79 = arith.addi %mul3A_78, %get3A_75 : vector<16xi32>
        %mul3A_80 = arith.constant 16 : i32
        %mul3A_81 = arith.muli %scan3A_68, %mul3A_80 : i32
        %swap3A = arith.index_cast %mul3A_81 : i32 to index
        %swap3A_82 = tpu.vector_load %run_scoped3A_11[%swap3A] {strides = array<i32>} : memref<6272xi32, #tpu.memory_space<vmem>>, vector<16xi32>,
        tpu.vector_store %run_scoped3A_11[%swap3A], %add3A_79 {strides = array<i32>} : memref<6272xi32, #tpu.memory_space<vmem>>, vector<16xi32>,
      }
      %scan3A_46 = arith.constant 392 : i32
      %dma_start3A_47 = arith.constant 0 : i32
      %dma_start3A_48 = tpu.memref_slice %arg8[%dma_start3A_47] : memref<501760xi32, #tpu.memory_space<vmem_shared>> -> memref<501760xi32, #tpu.memory_space<vmem_shared>>
      tpu.enqueue_indirect_dma source(%run_scoped3A_11 : memref<6272xi32, #tpu.memory_space<vmem>>) target(%dma_start3A_48 : memref<501760xi32, #tpu.memory_space<vmem_shared>>) offsets(%run_scoped3A_10 : memref<6272xi32, #tpu.memory_space<vmem>>) semaphore(%arg12 : memref<!tpu.dma_semaphore, #tpu.memory_space<semaphore_mem>>)
      %mul3A_49 = arith.constant 3136 : i32
      %mul3A_50 = arith.muli %arg1, %mul3A_49 : i32
      %min3A_51 = arith.constant 46864 : i32
      %min3A_52 = arith.minsi %mul3A_50, %min3A_51 : i32
      "tpu.region"() ({
        %run_scoped3A_68 = tpu.sem_alloc : memref<!tpu.dma_semaphore, #tpu.memory_space<semaphore_mem>>
        %dma_start3A_69 = tpu.memref_slice %arg6[%min3A_52] : memref<50000xi32, #tpu.memory_space<hbm>> -> memref<3136xi32, #tpu.memory_space<hbm>>
        %dma_start3A_70 = tpu.memref_slice %arg6[%min3A_52] : memref<50000xi32, #tpu.memory_space<hbm>> -> memref<3136xi32, #tpu.memory_space<hbm>>
        tpu.enqueue_dma source(%dma_start3A_70 : memref<3136xi32, #tpu.memory_space<hbm>>) target(%run_scoped3A_12 : memref<3136xi32, #tpu.memory_space<vmem>>) target_semaphore(%run_scoped3A_68 : memref<!tpu.dma_semaphore, #tpu.memory_space<semaphore_mem>>)
        %dma_wait3A_71 = tpu.memref_slice %arg6[%min3A_52] : memref<50000xi32, #tpu.memory_space<hbm>> -> memref<3136xi32, #tpu.memory_space<hbm>>
        %dma_wait3A_72 = tpu.memref_slice %arg6[%min3A_52] : memref<50000xi32, #tpu.memory_space<hbm>> -> memref<3136xi32, #tpu.memory_space<hbm>>
        tpu.wait_dma2 semaphore(%run_scoped3A_68 : memref<!tpu.dma_semaphore, #tpu.memory_space<semaphore_mem>>) src(%dma_wait3A_72 : memref<3136xi32, #tpu.memory_space<hbm>>) dst(%run_scoped3A_12 : memref<3136xi32, #tpu.memory_space<vmem>>)
        tpu.yield
      }) : () -> ()
      %broadcast_in_dim3A_53 = arith.constant 4096 : i32
      %broadcast_in_dim3A_54 = vector.broadcast %broadcast_in_dim3A_53 : i32 to vector<16xi32>
      %scan3A_55 = arith.constant 0 : i32
      %scan3A_56 = arith.constant 0 : i32
      %scan3A_57 = arith.constant 196 : i32
      %scan3A_58 = arith.addi %scan3A_56, %scan3A_57 : i32
      %scan3A_59 = arith.constant 1 : i32
      scf.for %scan3A_68 = %scan3A_56 to %scan3A_58 step %scan3A_59  : i32 {
        %mul3A_69 = arith.constant 16 : i32
        %mul3A_70 = arith.muli %scan3A_68, %mul3A_69 : i32
        %swap3A = arith.index_cast %mul3A_70 : i32 to index
        %swap3A_71 = tpu.vector_load %run_scoped3A_13[%swap3A] {strides = array<i32>} : memref<3136xi32, #tpu.memory_space<vmem>>, vector<16xi32>,
        tpu.vector_store %run_scoped3A_13[%swap3A], %broadcast_in_dim3A_54 {strides = array<i32>} : memref<3136xi32, #tpu.memory_space<vmem>>, vector<16xi32>,
      }
      %scan3A_60 = arith.constant 196 : i32
      %dma_start3A_61 = arith.constant 0 : i32
      %dma_start3A_62 = tpu.memref_slice %arg8[%dma_start3A_61] : memref<501760xi32, #tpu.memory_space<vmem_shared>> -> memref<501760xi32, #tpu.memory_space<vmem_shared>>
      tpu.enqueue_indirect_dma source(%run_scoped3A_13 : memref<3136xi32, #tpu.memory_space<vmem>>) target(%dma_start3A_62 : memref<501760xi32, #tpu.memory_space<vmem_shared>>) offsets(%run_scoped3A_12 : memref<3136xi32, #tpu.memory_space<vmem>>) semaphore(%arg13 : memref<!tpu.dma_semaphore, #tpu.memory_space<semaphore_mem>>)
      %dma_wait3A = arith.constant 0 : i32
      %dma_wait3A_63 = tpu.memref_slice %arg8[%dma_wait3A] : memref<501760xi32, #tpu.memory_space<vmem_shared>> -> memref<501760xi32, #tpu.memory_space<vmem_shared>>
      tpu.wait_indirect_dma semaphore(%arg11 : memref<!tpu.dma_semaphore, #tpu.memory_space<semaphore_mem>>) src(%run_scoped3A_8 : memref<6272xi32, #tpu.memory_space<vmem>>) dst(%dma_wait3A_63 : memref<501760xi32, #tpu.memory_space<vmem_shared>>)
      %dma_wait3A_64 = arith.constant 0 : i32
      %dma_wait3A_65 = tpu.memref_slice %arg8[%dma_wait3A_64] : memref<501760xi32, #tpu.memory_space<vmem_shared>> -> memref<501760xi32, #tpu.memory_space<vmem_shared>>
      tpu.wait_indirect_dma semaphore(%arg12 : memref<!tpu.dma_semaphore, #tpu.memory_space<semaphore_mem>>) src(%run_scoped3A_11 : memref<6272xi32, #tpu.memory_space<vmem>>) dst(%dma_wait3A_65 : memref<501760xi32, #tpu.memory_space<vmem_shared>>)
      %dma_wait3A_66 = arith.constant 0 : i32
      %dma_wait3A_67 = tpu.memref_slice %arg8[%dma_wait3A_66] : memref<501760xi32, #tpu.memory_space<vmem_shared>> -> memref<501760xi32, #tpu.memory_space<vmem_shared>>
      tpu.wait_indirect_dma semaphore(%arg13 : memref<!tpu.dma_semaphore, #tpu.memory_space<semaphore_mem>>) src(%run_scoped3A_13 : memref<3136xi32, #tpu.memory_space<vmem>>) dst(%dma_wait3A_67 : memref<501760xi32, #tpu.memory_space<vmem_shared>>)
      tpu.yield
    }) : () -> ()
    %eq3A_3 = arith.constant 0 : i32
    %eq3A_4 = arith.cmpi eq, %arg1, %eq3A_3 : i32
    %convert_element_type3A_5 = arith.extui %eq3A_4 : i1 to i32
    %cond3A_6 = arith.constant 0 : i32
    %cond3A_7 = arith.cmpi ne, %convert_element_type3A_5, %cond3A_6 : i32
    scf.if %cond3A_7 {
      tpu.wait_dma2 semaphore(%arg10 : memref<!tpu.dma_semaphore, #tpu.memory_space<semaphore_mem>>) src(%arg2 : memref<65664xf32, #tpu.memory_space<hbm>>) dst(%arg9 : memref<65664xf32, #tpu.memory_space<vmem_shared>>)
    } else {
    }
    %barrier3A = arith.constant 0 : index
    tpu.barrier barrier_id(%barrier3A)
    "tpu.region"() ({
      %run_scoped3A = memref.alloca() : memref<65664xf32, #tpu.memory_space<vmem>>
      %run_scoped3A_8 = memref.alloca() : memref<768xi32, #tpu.memory_space<vmem>>
      %run_scoped3A_9 = memref.alloca() : memref<16x768xf32, #tpu.memory_space<vmem>>
      %run_scoped3A_10 = memref.alloca() : memref<16x768xf32, #tpu.memory_space<vmem>>
      %run_scoped3A_11 = memref.alloca() : memref<16x32xf32, #tpu.memory_space<vmem>>
      "tpu.region"() ({
        %run_scoped3A_23 = tpu.sem_alloc : memref<!tpu.dma_semaphore, #tpu.memory_space<semaphore_mem>>
        tpu.enqueue_dma source(%arg9 : memref<65664xf32, #tpu.memory_space<vmem_shared>>) target(%run_scoped3A : memref<65664xf32, #tpu.memory_space<vmem>>) target_semaphore(%run_scoped3A_23 : memref<!tpu.dma_semaphore, #tpu.memory_space<semaphore_mem>>)
        tpu.wait_dma2 semaphore(%run_scoped3A_23 : memref<!tpu.dma_semaphore, #tpu.memory_space<semaphore_mem>>) src(%arg9 : memref<65664xf32, #tpu.memory_space<vmem_shared>>) dst(%run_scoped3A : memref<65664xf32, #tpu.memory_space<vmem>>)
        tpu.yield
      }) : () -> ()
      %iota3A = tpu.iota {dimensions = array<i32: 0>} : vector<16xi32>
      %scan3A = arith.constant 0 : i32
      %scan3A_12 = arith.constant 0 : i32
      %scan3A_13 = arith.constant 11 : i32
      %scan3A_14 = arith.addi %scan3A_12, %scan3A_13 : i32
      %scan3A_15 = arith.constant 1 : i32
      scf.for %scan3A_23 = %scan3A_12 to %scan3A_14 step %scan3A_15  : i32 {
        %mul3A_24 = arith.constant 2 : i32
        %mul3A_25 = arith.muli %mul3A_24, %scan3A_23 : i32
        %add3A_26 = arith.constant 0 : i32
        %add3A_27 = arith.addi %mul3A_25, %add3A_26 : i32
        %mul3A_28 = arith.constant 32 : i32
        %mul3A_29 = arith.muli %mul3A_28, %add3A_27 : i32
        %add3A_30 = arith.addi %add3A, %mul3A_29 : i32
        %ge3A = arith.constant 2 : i32
        %ge3A_31 = arith.cmpi sge, %add3A_27, %ge3A : i32
        %sub3A = arith.constant 64 : i32
        %sub3A_32 = arith.subi %add3A_30, %sub3A : i32
        %lt3A_33 = arith.constant 651 : i32
        %lt3A_34 = arith.cmpi slt, %sub3A_32, %lt3A_33 : i32
        %and3A = arith.andi %ge3A_31, %lt3A_34 : i1
        %convert_element_type3A_35 = arith.extui %and3A : i1 to i32
        %cond3A_36 = arith.constant 0 : i32
        %cond3A_37 = arith.cmpi ne, %convert_element_type3A_35, %cond3A_36 : i32
        scf.if %cond3A_37 {
          %dma_wait3A = arith.constant 0 : i32
          %dma_wait3A_75 = arith.constant 0 : i32
          %dma_wait3A_76 = tpu.memref_slice %arg7[%dma_wait3A, %dma_wait3A_75] : memref<16x500000xf32, #tpu.memory_space<hbm>> -> memref<16x768xf32, #tpu.memory_space<hbm>>
          %dma_wait3A_77 = arith.constant 0 : i32
          %dma_wait3A_78 = arith.constant 0 : i32
          %dma_wait3A_79 = tpu.memref_slice %arg7[%dma_wait3A_77, %dma_wait3A_78] : memref<16x500000xf32, #tpu.memory_space<hbm>> -> memref<16x768xf32, #tpu.memory_space<hbm>>
          tpu.wait_dma2 semaphore(%arg11 : memref<!tpu.dma_semaphore, #tpu.memory_space<semaphore_mem>>) src(%run_scoped3A_9 : memref<16x768xf32, #tpu.memory_space<vmem>>) dst(%dma_wait3A_79 : memref<16x768xf32, #tpu.memory_space<hbm>>)
        } else {
        }
        %lt3A_38 = arith.constant 651 : i32
        %lt3A_39 = arith.cmpi slt, %add3A_30, %lt3A_38 : i32
        %convert_element_type3A_40 = arith.extui %lt3A_39 : i1 to i32
        %cond3A_41 = arith.constant 0 : i32
        %cond3A_42 = arith.cmpi ne, %convert_element_type3A_40, %cond3A_41 : i32
        scf.if %cond3A_42 {
          %mul3A_75 = arith.constant 768 : i32
          %mul3A_76 = arith.muli %add3A_30, %mul3A_75 : i32
          "tpu.region"() ({
            %run_scoped3A_93 = tpu.sem_alloc : memref<!tpu.dma_semaphore, #tpu.memory_space<semaphore_mem>>
            %dma_start3A_94 = arith.constant 0 : i32
            %dma_start3A_95 = tpu.memref_slice %run_scoped3A_8[%dma_start3A_94] : memref<768xi32, #tpu.memory_space<vmem>> -> memref<768xi32, #tpu.memory_space<vmem>>
            %dma_start3A_96 = tpu.memref_slice %arg8[%mul3A_76] : memref<501760xi32, #tpu.memory_space<vmem_shared>> -> memref<768xi32, #tpu.memory_space<vmem_shared>>
            %dma_start3A_97 = arith.constant 0 : i32
            %dma_start3A_98 = tpu.memref_slice %run_scoped3A_8[%dma_start3A_97] : memref<768xi32, #tpu.memory_space<vmem>> -> memref<768xi32, #tpu.memory_space<vmem>>
            %dma_start3A_99 = tpu.memref_slice %arg8[%mul3A_76] : memref<501760xi32, #tpu.memory_space<vmem_shared>> -> memref<768xi32, #tpu.memory_space<vmem_shared>>
            tpu.enqueue_dma source(%dma_start3A_99 : memref<768xi32, #tpu.memory_space<vmem_shared>>) target(%dma_start3A_98 : memref<768xi32, #tpu.memory_space<vmem>>) target_semaphore(%run_scoped3A_93 : memref<!tpu.dma_semaphore, #tpu.memory_space<semaphore_mem>>)
            %dma_wait3A = arith.constant 0 : i32
            %dma_wait3A_100 = tpu.memref_slice %run_scoped3A_8[%dma_wait3A] : memref<768xi32, #tpu.memory_space<vmem>> -> memref<768xi32, #tpu.memory_space<vmem>>
            %dma_wait3A_101 = tpu.memref_slice %arg8[%mul3A_76] : memref<501760xi32, #tpu.memory_space<vmem_shared>> -> memref<768xi32, #tpu.memory_space<vmem_shared>>
            %dma_wait3A_102 = arith.constant 0 : i32
            %dma_wait3A_103 = tpu.memref_slice %run_scoped3A_8[%dma_wait3A_102] : memref<768xi32, #tpu.memory_space<vmem>> -> memref<768xi32, #tpu.memory_space<vmem>>
            %dma_wait3A_104 = tpu.memref_slice %arg8[%mul3A_76] : memref<501760xi32, #tpu.memory_space<vmem_shared>> -> memref<768xi32, #tpu.memory_space<vmem_shared>>
            tpu.wait_dma2 semaphore(%run_scoped3A_93 : memref<!tpu.dma_semaphore, #tpu.memory_space<semaphore_mem>>) src(%dma_wait3A_104 : memref<768xi32, #tpu.memory_space<vmem_shared>>) dst(%dma_wait3A_103 : memref<768xi32, #tpu.memory_space<vmem>>)
            tpu.yield
          }) : () -> ()
          %scan3A_77 = arith.constant 0 : i32
          %scan3A_78 = arith.constant 0 : i32
          %scan3A_79 = arith.constant 48 : i32
          %scan3A_80 = arith.addi %scan3A_78, %scan3A_79 : i32
          %scan3A_81 = arith.constant 1 : i32
          scf.for %scan3A_93 = %scan3A_78 to %scan3A_80 step %scan3A_81  : i32 {
            %mul3A_94 = arith.constant 16 : i32
            %mul3A_95 = arith.muli %scan3A_93, %mul3A_94 : i32
            %get3A = arith.index_cast %mul3A_95 : i32 to index
            %get3A_96 = tpu.vector_load %run_scoped3A_8[%get3A] {strides = array<i32>} : memref<768xi32, #tpu.memory_space<vmem>>, vector<16xi32>,
            %add3A_97 = arith.constant 0 : i32
            %add3A_98 = vector.broadcast %add3A_97 : i32 to vector<16xi32>
            %add3A_99 = arith.addi %get3A_96, %add3A_98 : vector<16xi32>
            %gather3A = tpu.vector_load_idx %run_scoped3A[%add3A_99] : memref<65664xf32, #tpu.memory_space<vmem>>[vector<16xi32>], vector<16xf32>,
            %mul3A_100 = arith.constant 16 : i32
            %mul3A_101 = arith.muli %scan3A_93, %mul3A_100 : i32
            %swap3A = arith.constant 0 : i32
            %swap3A_102 = arith.index_cast %swap3A : i32 to index
            %swap3A_103 = arith.index_cast %mul3A_101 : i32 to index
            %swap3A_104 = tpu.vector_load %run_scoped3A_9[%swap3A_102, %swap3A_103] {strides = array<i32>} : memref<16x768xf32, #tpu.memory_space<vmem>>, vector<16xf32>,
            tpu.vector_store %run_scoped3A_9[%swap3A_102, %swap3A_103], %gather3A {strides = array<i32>} : memref<16x768xf32, #tpu.memory_space<vmem>>, vector<16xf32>,
            %add3A_105 = arith.constant 4104 : i32
            %add3A_106 = vector.broadcast %add3A_105 : i32 to vector<16xi32>
            %add3A_107 = arith.addi %get3A_96, %add3A_106 : vector<16xi32>
            %gather3A_108 = tpu.vector_load_idx %run_scoped3A[%add3A_107] : memref<65664xf32, #tpu.memory_space<vmem>>[vector<16xi32>], vector<16xf32>,
            %mul3A_109 = arith.constant 16 : i32
            %mul3A_110 = arith.muli %scan3A_93, %mul3A_109 : i32
            %swap3A_111 = arith.constant 1 : i32
            %swap3A_112 = arith.index_cast %swap3A_111 : i32 to index
            %swap3A_113 = arith.index_cast %mul3A_110 : i32 to index
            %swap3A_114 = tpu.vector_load %run_scoped3A_9[%swap3A_112, %swap3A_113] {strides = array<i32>} : memref<16x768xf32, #tpu.memory_space<vmem>>, vector<16xf32>,
            tpu.vector_store %run_scoped3A_9[%swap3A_112, %swap3A_113], %gather3A_108 {strides = array<i32>} : memref<16x768xf32, #tpu.memory_space<vmem>>, vector<16xf32>,
            %add3A_115 = arith.constant 8208 : i32
            %add3A_116 = vector.broadcast %add3A_115 : i32 to vector<16xi32>
            %add3A_117 = arith.addi %get3A_96, %add3A_116 : vector<16xi32>
            %gather3A_118 = tpu.vector_load_idx %run_scoped3A[%add3A_117] : memref<65664xf32, #tpu.memory_space<vmem>>[vector<16xi32>], vector<16xf32>,
            %mul3A_119 = arith.constant 16 : i32
            %mul3A_120 = arith.muli %scan3A_93, %mul3A_119 : i32
            %swap3A_121 = arith.constant 2 : i32
            %swap3A_122 = arith.index_cast %swap3A_121 : i32 to index
            %swap3A_123 = arith.index_cast %mul3A_120 : i32 to index
            %swap3A_124 = tpu.vector_load %run_scoped3A_9[%swap3A_122, %swap3A_123] {strides = array<i32>} : memref<16x768xf32, #tpu.memory_space<vmem>>, vector<16xf32>,
            tpu.vector_store %run_scoped3A_9[%swap3A_122, %swap3A_123], %gather3A_118 {strides = array<i32>} : memref<16x768xf32, #tpu.memory_space<vmem>>, vector<16xf32>,
            %add3A_125 = arith.constant 12312 : i32
            %add3A_126 = vector.broadcast %add3A_125 : i32 to vector<16xi32>
            %add3A_127 = arith.addi %get3A_96, %add3A_126 : vector<16xi32>
            %gather3A_128 = tpu.vector_load_idx %run_scoped3A[%add3A_127] : memref<65664xf32, #tpu.memory_space<vmem>>[vector<16xi32>], vector<16xf32>,
            %mul3A_129 = arith.constant 16 : i32
            %mul3A_130 = arith.muli %scan3A_93, %mul3A_129 : i32
            %swap3A_131 = arith.constant 3 : i32
            %swap3A_132 = arith.index_cast %swap3A_131 : i32 to index
            %swap3A_133 = arith.index_cast %mul3A_130 : i32 to index
            %swap3A_134 = tpu.vector_load %run_scoped3A_9[%swap3A_132, %swap3A_133] {strides = array<i32>} : memref<16x768xf32, #tpu.memory_space<vmem>>, vector<16xf32>,
            tpu.vector_store %run_scoped3A_9[%swap3A_132, %swap3A_133], %gather3A_128 {strides = array<i32>} : memref<16x768xf32, #tpu.memory_space<vmem>>, vector<16xf32>,
            %add3A_135 = arith.constant 16416 : i32
            %add3A_136 = vector.broadcast %add3A_135 : i32 to vector<16xi32>
            %add3A_137 = arith.addi %get3A_96, %add3A_136 : vector<16xi32>
            %gather3A_138 = tpu.vector_load_idx %run_scoped3A[%add3A_137] : memref<65664xf32, #tpu.memory_space<vmem>>[vector<16xi32>], vector<16xf32>,
            %mul3A_139 = arith.constant 16 : i32
            %mul3A_140 = arith.muli %scan3A_93, %mul3A_139 : i32
            %swap3A_141 = arith.constant 4 : i32
            %swap3A_142 = arith.index_cast %swap3A_141 : i32 to index
            %swap3A_143 = arith.index_cast %mul3A_140 : i32 to index
            %swap3A_144 = tpu.vector_load %run_scoped3A_9[%swap3A_142, %swap3A_143] {strides = array<i32>} : memref<16x768xf32, #tpu.memory_space<vmem>>, vector<16xf32>,
            tpu.vector_store %run_scoped3A_9[%swap3A_142, %swap3A_143], %gather3A_138 {strides = array<i32>} : memref<16x768xf32, #tpu.memory_space<vmem>>, vector<16xf32>,
            %add3A_145 = arith.constant 20520 : i32
            %add3A_146 = vector.broadcast %add3A_145 : i32 to vector<16xi32>
            %add3A_147 = arith.addi %get3A_96, %add3A_146 : vector<16xi32>
            %gather3A_148 = tpu.vector_load_idx %run_scoped3A[%add3A_147] : memref<65664xf32, #tpu.memory_space<vmem>>[vector<16xi32>], vector<16xf32>,
            %mul3A_149 = arith.constant 16 : i32
            %mul3A_150 = arith.muli %scan3A_93, %mul3A_149 : i32
            %swap3A_151 = arith.constant 5 : i32
            %swap3A_152 = arith.index_cast %swap3A_151 : i32 to index
            %swap3A_153 = arith.index_cast %mul3A_150 : i32 to index
            %swap3A_154 = tpu.vector_load %run_scoped3A_9[%swap3A_152, %swap3A_153] {strides = array<i32>} : memref<16x768xf32, #tpu.memory_space<vmem>>, vector<16xf32>,
            tpu.vector_store %run_scoped3A_9[%swap3A_152, %swap3A_153], %gather3A_148 {strides = array<i32>} : memref<16x768xf32, #tpu.memory_space<vmem>>, vector<16xf32>,
            %add3A_155 = arith.constant 24624 : i32
            %add3A_156 = vector.broadcast %add3A_155 : i32 to vector<16xi32>
            %add3A_157 = arith.addi %get3A_96, %add3A_156 : vector<16xi32>
            %gather3A_158 = tpu.vector_load_idx %run_scoped3A[%add3A_157] : memref<65664xf32, #tpu.memory_space<vmem>>[vector<16xi32>], vector<16xf32>,
            %mul3A_159 = arith.constant 16 : i32
            %mul3A_160 = arith.muli %scan3A_93, %mul3A_159 : i32
            %swap3A_161 = arith.constant 6 : i32
            %swap3A_162 = arith.index_cast %swap3A_161 : i32 to index
            %swap3A_163 = arith.index_cast %mul3A_160 : i32 to index
            %swap3A_164 = tpu.vector_load %run_scoped3A_9[%swap3A_162, %swap3A_163] {strides = array<i32>} : memref<16x768xf32, #tpu.memory_space<vmem>>, vector<16xf32>,
            tpu.vector_store %run_scoped3A_9[%swap3A_162, %swap3A_163], %gather3A_158 {strides = array<i32>} : memref<16x768xf32, #tpu.memory_space<vmem>>, vector<16xf32>,
            %add3A_165 = arith.constant 28728 : i32
            %add3A_166 = vector.broadcast %add3A_165 : i32 to vector<16xi32>
            %add3A_167 = arith.addi %get3A_96, %add3A_166 : vector<16xi32>
            %gather3A_168 = tpu.vector_load_idx %run_scoped3A[%add3A_167] : memref<65664xf32, #tpu.memory_space<vmem>>[vector<16xi32>], vector<16xf32>,
            %mul3A_169 = arith.constant 16 : i32
            %mul3A_170 = arith.muli %scan3A_93, %mul3A_169 : i32
            %swap3A_171 = arith.constant 7 : i32
            %swap3A_172 = arith.index_cast %swap3A_171 : i32 to index
            %swap3A_173 = arith.index_cast %mul3A_170 : i32 to index
            %swap3A_174 = tpu.vector_load %run_scoped3A_9[%swap3A_172, %swap3A_173] {strides = array<i32>} : memref<16x768xf32, #tpu.memory_space<vmem>>, vector<16xf32>,
            tpu.vector_store %run_scoped3A_9[%swap3A_172, %swap3A_173], %gather3A_168 {strides = array<i32>} : memref<16x768xf32, #tpu.memory_space<vmem>>, vector<16xf32>,
            %add3A_175 = arith.constant 32832 : i32
            %add3A_176 = vector.broadcast %add3A_175 : i32 to vector<16xi32>
            %add3A_177 = arith.addi %get3A_96, %add3A_176 : vector<16xi32>
            %gather3A_178 = tpu.vector_load_idx %run_scoped3A[%add3A_177] : memref<65664xf32, #tpu.memory_space<vmem>>[vector<16xi32>], vector<16xf32>,
            %mul3A_179 = arith.constant 16 : i32
            %mul3A_180 = arith.muli %scan3A_93, %mul3A_179 : i32
            %swap3A_181 = arith.constant 8 : i32
            %swap3A_182 = arith.index_cast %swap3A_181 : i32 to index
            %swap3A_183 = arith.index_cast %mul3A_180 : i32 to index
            %swap3A_184 = tpu.vector_load %run_scoped3A_9[%swap3A_182, %swap3A_183] {strides = array<i32>} : memref<16x768xf32, #tpu.memory_space<vmem>>, vector<16xf32>,
            tpu.vector_store %run_scoped3A_9[%swap3A_182, %swap3A_183], %gather3A_178 {strides = array<i32>} : memref<16x768xf32, #tpu.memory_space<vmem>>, vector<16xf32>,
            %add3A_185 = arith.constant 36936 : i32
            %add3A_186 = vector.broadcast %add3A_185 : i32 to vector<16xi32>
            %add3A_187 = arith.addi %get3A_96, %add3A_186 : vector<16xi32>
            %gather3A_188 = tpu.vector_load_idx %run_scoped3A[%add3A_187] : memref<65664xf32, #tpu.memory_space<vmem>>[vector<16xi32>], vector<16xf32>,
            %mul3A_189 = arith.constant 16 : i32
            %mul3A_190 = arith.muli %scan3A_93, %mul3A_189 : i32
            %swap3A_191 = arith.constant 9 : i32
            %swap3A_192 = arith.index_cast %swap3A_191 : i32 to index
            %swap3A_193 = arith.index_cast %mul3A_190 : i32 to index
            %swap3A_194 = tpu.vector_load %run_scoped3A_9[%swap3A_192, %swap3A_193] {strides = array<i32>} : memref<16x768xf32, #tpu.memory_space<vmem>>, vector<16xf32>,
            tpu.vector_store %run_scoped3A_9[%swap3A_192, %swap3A_193], %gather3A_188 {strides = array<i32>} : memref<16x768xf32, #tpu.memory_space<vmem>>, vector<16xf32>,
            %add3A_195 = arith.constant 41040 : i32
            %add3A_196 = vector.broadcast %add3A_195 : i32 to vector<16xi32>
            %add3A_197 = arith.addi %get3A_96, %add3A_196 : vector<16xi32>
            %gather3A_198 = tpu.vector_load_idx %run_scoped3A[%add3A_197] : memref<65664xf32, #tpu.memory_space<vmem>>[vector<16xi32>], vector<16xf32>,
            %mul3A_199 = arith.constant 16 : i32
            %mul3A_200 = arith.muli %scan3A_93, %mul3A_199 : i32
            %swap3A_201 = arith.constant 10 : i32
            %swap3A_202 = arith.index_cast %swap3A_201 : i32 to index
            %swap3A_203 = arith.index_cast %mul3A_200 : i32 to index
            %swap3A_204 = tpu.vector_load %run_scoped3A_9[%swap3A_202, %swap3A_203] {strides = array<i32>} : memref<16x768xf32, #tpu.memory_space<vmem>>, vector<16xf32>,
            tpu.vector_store %run_scoped3A_9[%swap3A_202, %swap3A_203], %gather3A_198 {strides = array<i32>} : memref<16x768xf32, #tpu.memory_space<vmem>>, vector<16xf32>,
            %add3A_205 = arith.constant 45144 : i32
            %add3A_206 = vector.broadcast %add3A_205 : i32 to vector<16xi32>
            %add3A_207 = arith.addi %get3A_96, %add3A_206 : vector<16xi32>
            %gather3A_208 = tpu.vector_load_idx %run_scoped3A[%add3A_207] : memref<65664xf32, #tpu.memory_space<vmem>>[vector<16xi32>], vector<16xf32>,
            %mul3A_209 = arith.constant 16 : i32
            %mul3A_210 = arith.muli %scan3A_93, %mul3A_209 : i32
            %swap3A_211 = arith.constant 11 : i32
            %swap3A_212 = arith.index_cast %swap3A_211 : i32 to index
            %swap3A_213 = arith.index_cast %mul3A_210 : i32 to index
            %swap3A_214 = tpu.vector_load %run_scoped3A_9[%swap3A_212, %swap3A_213] {strides = array<i32>} : memref<16x768xf32, #tpu.memory_space<vmem>>, vector<16xf32>,
            tpu.vector_store %run_scoped3A_9[%swap3A_212, %swap3A_213], %gather3A_208 {strides = array<i32>} : memref<16x768xf32, #tpu.memory_space<vmem>>, vector<16xf32>,
            %add3A_215 = arith.constant 49248 : i32
            %add3A_216 = vector.broadcast %add3A_215 : i32 to vector<16xi32>
            %add3A_217 = arith.addi %get3A_96, %add3A_216 : vector<16xi32>
            %gather3A_218 = tpu.vector_load_idx %run_scoped3A[%add3A_217] : memref<65664xf32, #tpu.memory_space<vmem>>[vector<16xi32>], vector<16xf32>,
            %mul3A_219 = arith.constant 16 : i32
            %mul3A_220 = arith.muli %scan3A_93, %mul3A_219 : i32
            %swap3A_221 = arith.constant 12 : i32
            %swap3A_222 = arith.index_cast %swap3A_221 : i32 to index
            %swap3A_223 = arith.index_cast %mul3A_220 : i32 to index
            %swap3A_224 = tpu.vector_load %run_scoped3A_9[%swap3A_222, %swap3A_223] {strides = array<i32>} : memref<16x768xf32, #tpu.memory_space<vmem>>, vector<16xf32>,
            tpu.vector_store %run_scoped3A_9[%swap3A_222, %swap3A_223], %gather3A_218 {strides = array<i32>} : memref<16x768xf32, #tpu.memory_space<vmem>>, vector<16xf32>,
            %add3A_225 = arith.constant 53352 : i32
            %add3A_226 = vector.broadcast %add3A_225 : i32 to vector<16xi32>
            %add3A_227 = arith.addi %get3A_96, %add3A_226 : vector<16xi32>
            %gather3A_228 = tpu.vector_load_idx %run_scoped3A[%add3A_227] : memref<65664xf32, #tpu.memory_space<vmem>>[vector<16xi32>], vector<16xf32>,
            %mul3A_229 = arith.constant 16 : i32
            %mul3A_230 = arith.muli %scan3A_93, %mul3A_229 : i32
            %swap3A_231 = arith.constant 13 : i32
            %swap3A_232 = arith.index_cast %swap3A_231 : i32 to index
            %swap3A_233 = arith.index_cast %mul3A_230 : i32 to index
            %swap3A_234 = tpu.vector_load %run_scoped3A_9[%swap3A_232, %swap3A_233] {strides = array<i32>} : memref<16x768xf32, #tpu.memory_space<vmem>>, vector<16xf32>,
            tpu.vector_store %run_scoped3A_9[%swap3A_232, %swap3A_233], %gather3A_228 {strides = array<i32>} : memref<16x768xf32, #tpu.memory_space<vmem>>, vector<16xf32>,
            %add3A_235 = arith.constant 57456 : i32
            %add3A_236 = vector.broadcast %add3A_235 : i32 to vector<16xi32>
            %add3A_237 = arith.addi %get3A_96, %add3A_236 : vector<16xi32>
            %gather3A_238 = tpu.vector_load_idx %run_scoped3A[%add3A_237] : memref<65664xf32, #tpu.memory_space<vmem>>[vector<16xi32>], vector<16xf32>,
            %mul3A_239 = arith.constant 16 : i32
            %mul3A_240 = arith.muli %scan3A_93, %mul3A_239 : i32
            %swap3A_241 = arith.constant 14 : i32
            %swap3A_242 = arith.index_cast %swap3A_241 : i32 to index
            %swap3A_243 = arith.index_cast %mul3A_240 : i32 to index
            %swap3A_244 = tpu.vector_load %run_scoped3A_9[%swap3A_242, %swap3A_243] {strides = array<i32>} : memref<16x768xf32, #tpu.memory_space<vmem>>, vector<16xf32>,
            tpu.vector_store %run_scoped3A_9[%swap3A_242, %swap3A_243], %gather3A_238 {strides = array<i32>} : memref<16x768xf32, #tpu.memory_space<vmem>>, vector<16xf32>,
            %add3A_245 = arith.constant 61560 : i32
            %add3A_246 = vector.broadcast %add3A_245 : i32 to vector<16xi32>
            %add3A_247 = arith.addi %get3A_96, %add3A_246 : vector<16xi32>
            %gather3A_248 = tpu.vector_load_idx %run_scoped3A[%add3A_247] : memref<65664xf32, #tpu.memory_space<vmem>>[vector<16xi32>], vector<16xf32>,
            %mul3A_249 = arith.constant 16 : i32
            %mul3A_250 = arith.muli %scan3A_93, %mul3A_249 : i32
            %swap3A_251 = arith.constant 15 : i32
            %swap3A_252 = arith.index_cast %swap3A_251 : i32 to index
            %swap3A_253 = arith.index_cast %mul3A_250 : i32 to index
            %swap3A_254 = tpu.vector_load %run_scoped3A_9[%swap3A_252, %swap3A_253] {strides = array<i32>} : memref<16x768xf32, #tpu.memory_space<vmem>>, vector<16xf32>,
            tpu.vector_store %run_scoped3A_9[%swap3A_252, %swap3A_253], %gather3A_248 {strides = array<i32>} : memref<16x768xf32, #tpu.memory_space<vmem>>, vector<16xf32>,
          }
          %scan3A_82 = arith.constant 48 : i32
          %eq3A_83 = arith.constant 0 : i32
          %eq3A_84 = arith.cmpi eq, %add3A_30, %eq3A_83 : i32
          %convert_element_type3A_85 = arith.extui %eq3A_84 : i1 to i32
          %cond3A_86 = arith.constant 0 : i32
          %cond3A_87 = arith.cmpi ne, %convert_element_type3A_85, %cond3A_86 : i32
          scf.if %cond3A_87 {
            %get3A = arith.constant 0 : i32
            %get3A_93 = arith.index_cast %get3A : i32 to index
            %get3A_94 = arith.constant 0 : index
            %get3A_95 = tpu.vector_load %run_scoped3A_9[%get3A_93, %get3A_94] {strides = array<i32>} : memref<16x768xf32, #tpu.memory_space<vmem>>, vector<16xf32>,
            %eq3A_96 = arith.constant 1 : i32
            %eq3A_97 = vector.broadcast %eq3A_96 : i32 to vector<16xi32>
            %eq3A_98 = arith.cmpi eq, %iota3A, %eq3A_97 : vector<16xi32>
            %jit3A = arith.constant 1.000000e+00 : f32
            %broadcast_in_dim3A = vector.broadcast %jit3A : f32 to vector<16xf32>
            %select_n3A = arith.select %eq3A_98, %broadcast_in_dim3A, %get3A_95 : vector<16xi1>, vector<16xf32>
            %swap3A = arith.constant 0 : i32
            %swap3A_99 = arith.index_cast %swap3A : i32 to index
            %swap3A_100 = arith.constant 0 : index
            %swap3A_101 = tpu.vector_load %run_scoped3A_9[%swap3A_99, %swap3A_100] {strides = array<i32>} : memref<16x768xf32, #tpu.memory_space<vmem>>, vector<16xf32>,
            tpu.vector_store %run_scoped3A_9[%swap3A_99, %swap3A_100], %select_n3A {strides = array<i32>} : memref<16x768xf32, #tpu.memory_space<vmem>>, vector<16xf32>,
            %get3A_102 = arith.constant 1 : i32
            %get3A_103 = arith.index_cast %get3A_102 : i32 to index
            %get3A_104 = arith.constant 0 : index
            %get3A_105 = tpu.vector_load %run_scoped3A_9[%get3A_103, %get3A_104] {strides = array<i32>} : memref<16x768xf32, #tpu.memory_space<vmem>>, vector<16xf32>,
            %eq3A_106 = arith.constant 1 : i32
            %eq3A_107 = vector.broadcast %eq3A_106 : i32 to vector<16xi32>
            %eq3A_108 = arith.cmpi eq, %iota3A, %eq3A_107 : vector<16xi32>
            %jit3A_109 = arith.constant 1.000000e+00 : f32
            %broadcast_in_dim3A_110 = vector.broadcast %jit3A_109 : f32 to vector<16xf32>
            %select_n3A_111 = arith.select %eq3A_108, %broadcast_in_dim3A_110, %get3A_105 : vector<16xi1>, vector<16xf32>
            %swap3A_112 = arith.constant 1 : i32
            %swap3A_113 = arith.index_cast %swap3A_112 : i32 to index
            %swap3A_114 = arith.constant 0 : index
            %swap3A_115 = tpu.vector_load %run_scoped3A_9[%swap3A_113, %swap3A_114] {strides = array<i32>} : memref<16x768xf32, #tpu.memory_space<vmem>>, vector<16xf32>,
            tpu.vector_store %run_scoped3A_9[%swap3A_113, %swap3A_114], %select_n3A_111 {strides = array<i32>} : memref<16x768xf32, #tpu.memory_space<vmem>>, vector<16xf32>,
            %get3A_116 = arith.constant 2 : i32
            %get3A_117 = arith.index_cast %get3A_116 : i32 to index
            %get3A_118 = arith.constant 0 : index
            %get3A_119 = tpu.vector_load %run_scoped3A_9[%get3A_117, %get3A_118] {strides = array<i32>} : memref<16x768xf32, #tpu.memory_space<vmem>>, vector<16xf32>,
            %eq3A_120 = arith.constant 1 : i32
            %eq3A_121 = vector.broadcast %eq3A_120 : i32 to vector<16xi32>
            %eq3A_122 = arith.cmpi eq, %iota3A, %eq3A_121 : vector<16xi32>
            %jit3A_123 = arith.constant 1.000000e+00 : f32
            %broadcast_in_dim3A_124 = vector.broadcast %jit3A_123 : f32 to vector<16xf32>
            %select_n3A_125 = arith.select %eq3A_122, %broadcast_in_dim3A_124, %get3A_119 : vector<16xi1>, vector<16xf32>
            %swap3A_126 = arith.constant 2 : i32
            %swap3A_127 = arith.index_cast %swap3A_126 : i32 to index
            %swap3A_128 = arith.constant 0 : index
            %swap3A_129 = tpu.vector_load %run_scoped3A_9[%swap3A_127, %swap3A_128] {strides = array<i32>} : memref<16x768xf32, #tpu.memory_space<vmem>>, vector<16xf32>,
            tpu.vector_store %run_scoped3A_9[%swap3A_127, %swap3A_128], %select_n3A_125 {strides = array<i32>} : memref<16x768xf32, #tpu.memory_space<vmem>>, vector<16xf32>,
            %get3A_130 = arith.constant 3 : i32
            %get3A_131 = arith.index_cast %get3A_130 : i32 to index
            %get3A_132 = arith.constant 0 : index
            %get3A_133 = tpu.vector_load %run_scoped3A_9[%get3A_131, %get3A_132] {strides = array<i32>} : memref<16x768xf32, #tpu.memory_space<vmem>>, vector<16xf32>,
            %eq3A_134 = arith.constant 1 : i32
            %eq3A_135 = vector.broadcast %eq3A_134 : i32 to vector<16xi32>
            %eq3A_136 = arith.cmpi eq, %iota3A, %eq3A_135 : vector<16xi32>
            %jit3A_137 = arith.constant 1.000000e+00 : f32
            %broadcast_in_dim3A_138 = vector.broadcast %jit3A_137 : f32 to vector<16xf32>
            %select_n3A_139 = arith.select %eq3A_136, %broadcast_in_dim3A_138, %get3A_133 : vector<16xi1>, vector<16xf32>
            %swap3A_140 = arith.constant 3 : i32
            %swap3A_141 = arith.index_cast %swap3A_140 : i32 to index
            %swap3A_142 = arith.constant 0 : index
            %swap3A_143 = tpu.vector_load %run_scoped3A_9[%swap3A_141, %swap3A_142] {strides = array<i32>} : memref<16x768xf32, #tpu.memory_space<vmem>>, vector<16xf32>,
            tpu.vector_store %run_scoped3A_9[%swap3A_141, %swap3A_142], %select_n3A_139 {strides = array<i32>} : memref<16x768xf32, #tpu.memory_space<vmem>>, vector<16xf32>,
            %get3A_144 = arith.constant 4 : i32
            %get3A_145 = arith.index_cast %get3A_144 : i32 to index
            %get3A_146 = arith.constant 0 : index
            %get3A_147 = tpu.vector_load %run_scoped3A_9[%get3A_145, %get3A_146] {strides = array<i32>} : memref<16x768xf32, #tpu.memory_space<vmem>>, vector<16xf32>,
            %eq3A_148 = arith.constant 1 : i32
            %eq3A_149 = vector.broadcast %eq3A_148 : i32 to vector<16xi32>
            %eq3A_150 = arith.cmpi eq, %iota3A, %eq3A_149 : vector<16xi32>
            %jit3A_151 = arith.constant 1.000000e+00 : f32
            %broadcast_in_dim3A_152 = vector.broadcast %jit3A_151 : f32 to vector<16xf32>
            %select_n3A_153 = arith.select %eq3A_150, %broadcast_in_dim3A_152, %get3A_147 : vector<16xi1>, vector<16xf32>
            %swap3A_154 = arith.constant 4 : i32
            %swap3A_155 = arith.index_cast %swap3A_154 : i32 to index
            %swap3A_156 = arith.constant 0 : index
            %swap3A_157 = tpu.vector_load %run_scoped3A_9[%swap3A_155, %swap3A_156] {strides = array<i32>} : memref<16x768xf32, #tpu.memory_space<vmem>>, vector<16xf32>,
            tpu.vector_store %run_scoped3A_9[%swap3A_155, %swap3A_156], %select_n3A_153 {strides = array<i32>} : memref<16x768xf32, #tpu.memory_space<vmem>>, vector<16xf32>,
            %get3A_158 = arith.constant 5 : i32
            %get3A_159 = arith.index_cast %get3A_158 : i32 to index
            %get3A_160 = arith.constant 0 : index
            %get3A_161 = tpu.vector_load %run_scoped3A_9[%get3A_159, %get3A_160] {strides = array<i32>} : memref<16x768xf32, #tpu.memory_space<vmem>>, vector<16xf32>,
            %eq3A_162 = arith.constant 1 : i32
            %eq3A_163 = vector.broadcast %eq3A_162 : i32 to vector<16xi32>
            %eq3A_164 = arith.cmpi eq, %iota3A, %eq3A_163 : vector<16xi32>
            %jit3A_165 = arith.constant 1.000000e+00 : f32
            %broadcast_in_dim3A_166 = vector.broadcast %jit3A_165 : f32 to vector<16xf32>
            %select_n3A_167 = arith.select %eq3A_164, %broadcast_in_dim3A_166, %get3A_161 : vector<16xi1>, vector<16xf32>
            %swap3A_168 = arith.constant 5 : i32
            %swap3A_169 = arith.index_cast %swap3A_168 : i32 to index
            %swap3A_170 = arith.constant 0 : index
            %swap3A_171 = tpu.vector_load %run_scoped3A_9[%swap3A_169, %swap3A_170] {strides = array<i32>} : memref<16x768xf32, #tpu.memory_space<vmem>>, vector<16xf32>,
            tpu.vector_store %run_scoped3A_9[%swap3A_169, %swap3A_170], %select_n3A_167 {strides = array<i32>} : memref<16x768xf32, #tpu.memory_space<vmem>>, vector<16xf32>,
            %get3A_172 = arith.constant 6 : i32
            %get3A_173 = arith.index_cast %get3A_172 : i32 to index
            %get3A_174 = arith.constant 0 : index
            %get3A_175 = tpu.vector_load %run_scoped3A_9[%get3A_173, %get3A_174] {strides = array<i32>} : memref<16x768xf32, #tpu.memory_space<vmem>>, vector<16xf32>,
            %eq3A_176 = arith.constant 1 : i32
            %eq3A_177 = vector.broadcast %eq3A_176 : i32 to vector<16xi32>
            %eq3A_178 = arith.cmpi eq, %iota3A, %eq3A_177 : vector<16xi32>
            %jit3A_179 = arith.constant 1.000000e+00 : f32
            %broadcast_in_dim3A_180 = vector.broadcast %jit3A_179 : f32 to vector<16xf32>
            %select_n3A_181 = arith.select %eq3A_178, %broadcast_in_dim3A_180, %get3A_175 : vector<16xi1>, vector<16xf32>
            %swap3A_182 = arith.constant 6 : i32
            %swap3A_183 = arith.index_cast %swap3A_182 : i32 to index
            %swap3A_184 = arith.constant 0 : index
            %swap3A_185 = tpu.vector_load %run_scoped3A_9[%swap3A_183, %swap3A_184] {strides = array<i32>} : memref<16x768xf32, #tpu.memory_space<vmem>>, vector<16xf32>,
            tpu.vector_store %run_scoped3A_9[%swap3A_183, %swap3A_184], %select_n3A_181 {strides = array<i32>} : memref<16x768xf32, #tpu.memory_space<vmem>>, vector<16xf32>,
            %get3A_186 = arith.constant 7 : i32
            %get3A_187 = arith.index_cast %get3A_186 : i32 to index
            %get3A_188 = arith.constant 0 : index
            %get3A_189 = tpu.vector_load %run_scoped3A_9[%get3A_187, %get3A_188] {strides = array<i32>} : memref<16x768xf32, #tpu.memory_space<vmem>>, vector<16xf32>,
            %eq3A_190 = arith.constant 1 : i32
            %eq3A_191 = vector.broadcast %eq3A_190 : i32 to vector<16xi32>
            %eq3A_192 = arith.cmpi eq, %iota3A, %eq3A_191 : vector<16xi32>
            %jit3A_193 = arith.constant 1.000000e+00 : f32
            %broadcast_in_dim3A_194 = vector.broadcast %jit3A_193 : f32 to vector<16xf32>
            %select_n3A_195 = arith.select %eq3A_192, %broadcast_in_dim3A_194, %get3A_189 : vector<16xi1>, vector<16xf32>
            %swap3A_196 = arith.constant 7 : i32
            %swap3A_197 = arith.index_cast %swap3A_196 : i32 to index
            %swap3A_198 = arith.constant 0 : index
            %swap3A_199 = tpu.vector_load %run_scoped3A_9[%swap3A_197, %swap3A_198] {strides = array<i32>} : memref<16x768xf32, #tpu.memory_space<vmem>>, vector<16xf32>,
            tpu.vector_store %run_scoped3A_9[%swap3A_197, %swap3A_198], %select_n3A_195 {strides = array<i32>} : memref<16x768xf32, #tpu.memory_space<vmem>>, vector<16xf32>,
            %get3A_200 = arith.constant 8 : i32
            %get3A_201 = arith.index_cast %get3A_200 : i32 to index
            %get3A_202 = arith.constant 0 : index
            %get3A_203 = tpu.vector_load %run_scoped3A_9[%get3A_201, %get3A_202] {strides = array<i32>} : memref<16x768xf32, #tpu.memory_space<vmem>>, vector<16xf32>,
            %eq3A_204 = arith.constant 1 : i32
            %eq3A_205 = vector.broadcast %eq3A_204 : i32 to vector<16xi32>
            %eq3A_206 = arith.cmpi eq, %iota3A, %eq3A_205 : vector<16xi32>
            %jit3A_207 = arith.constant 1.000000e+00 : f32
            %broadcast_in_dim3A_208 = vector.broadcast %jit3A_207 : f32 to vector<16xf32>
            %select_n3A_209 = arith.select %eq3A_206, %broadcast_in_dim3A_208, %get3A_203 : vector<16xi1>, vector<16xf32>
            %swap3A_210 = arith.constant 8 : i32
            %swap3A_211 = arith.index_cast %swap3A_210 : i32 to index
            %swap3A_212 = arith.constant 0 : index
            %swap3A_213 = tpu.vector_load %run_scoped3A_9[%swap3A_211, %swap3A_212] {strides = array<i32>} : memref<16x768xf32, #tpu.memory_space<vmem>>, vector<16xf32>,
            tpu.vector_store %run_scoped3A_9[%swap3A_211, %swap3A_212], %select_n3A_209 {strides = array<i32>} : memref<16x768xf32, #tpu.memory_space<vmem>>, vector<16xf32>,
            %get3A_214 = arith.constant 9 : i32
            %get3A_215 = arith.index_cast %get3A_214 : i32 to index
            %get3A_216 = arith.constant 0 : index
            %get3A_217 = tpu.vector_load %run_scoped3A_9[%get3A_215, %get3A_216] {strides = array<i32>} : memref<16x768xf32, #tpu.memory_space<vmem>>, vector<16xf32>,
            %eq3A_218 = arith.constant 1 : i32
            %eq3A_219 = vector.broadcast %eq3A_218 : i32 to vector<16xi32>
            %eq3A_220 = arith.cmpi eq, %iota3A, %eq3A_219 : vector<16xi32>
            %jit3A_221 = arith.constant 1.000000e+00 : f32
            %broadcast_in_dim3A_222 = vector.broadcast %jit3A_221 : f32 to vector<16xf32>
            %select_n3A_223 = arith.select %eq3A_220, %broadcast_in_dim3A_222, %get3A_217 : vector<16xi1>, vector<16xf32>
            %swap3A_224 = arith.constant 9 : i32
            %swap3A_225 = arith.index_cast %swap3A_224 : i32 to index
            %swap3A_226 = arith.constant 0 : index
            %swap3A_227 = tpu.vector_load %run_scoped3A_9[%swap3A_225, %swap3A_226] {strides = array<i32>} : memref<16x768xf32, #tpu.memory_space<vmem>>, vector<16xf32>,
            tpu.vector_store %run_scoped3A_9[%swap3A_225, %swap3A_226], %select_n3A_223 {strides = array<i32>} : memref<16x768xf32, #tpu.memory_space<vmem>>, vector<16xf32>,
            %get3A_228 = arith.constant 10 : i32
            %get3A_229 = arith.index_cast %get3A_228 : i32 to index
            %get3A_230 = arith.constant 0 : index
            %get3A_231 = tpu.vector_load %run_scoped3A_9[%get3A_229, %get3A_230] {strides = array<i32>} : memref<16x768xf32, #tpu.memory_space<vmem>>, vector<16xf32>,
            %eq3A_232 = arith.constant 1 : i32
            %eq3A_233 = vector.broadcast %eq3A_232 : i32 to vector<16xi32>
            %eq3A_234 = arith.cmpi eq, %iota3A, %eq3A_233 : vector<16xi32>
            %jit3A_235 = arith.constant 1.000000e+00 : f32
            %broadcast_in_dim3A_236 = vector.broadcast %jit3A_235 : f32 to vector<16xf32>
            %select_n3A_237 = arith.select %eq3A_234, %broadcast_in_dim3A_236, %get3A_231 : vector<16xi1>, vector<16xf32>
            %swap3A_238 = arith.constant 10 : i32
            %swap3A_239 = arith.index_cast %swap3A_238 : i32 to index
            %swap3A_240 = arith.constant 0 : index
            %swap3A_241 = tpu.vector_load %run_scoped3A_9[%swap3A_239, %swap3A_240] {strides = array<i32>} : memref<16x768xf32, #tpu.memory_space<vmem>>, vector<16xf32>,
            tpu.vector_store %run_scoped3A_9[%swap3A_239, %swap3A_240], %select_n3A_237 {strides = array<i32>} : memref<16x768xf32, #tpu.memory_space<vmem>>, vector<16xf32>,
            %get3A_242 = arith.constant 11 : i32
            %get3A_243 = arith.index_cast %get3A_242 : i32 to index
            %get3A_244 = arith.constant 0 : index
            %get3A_245 = tpu.vector_load %run_scoped3A_9[%get3A_243, %get3A_244] {strides = array<i32>} : memref<16x768xf32, #tpu.memory_space<vmem>>, vector<16xf32>,
            %eq3A_246 = arith.constant 1 : i32
            %eq3A_247 = vector.broadcast %eq3A_246 : i32 to vector<16xi32>
            %eq3A_248 = arith.cmpi eq, %iota3A, %eq3A_247 : vector<16xi32>
            %jit3A_249 = arith.constant 1.000000e+00 : f32
            %broadcast_in_dim3A_250 = vector.broadcast %jit3A_249 : f32 to vector<16xf32>
            %select_n3A_251 = arith.select %eq3A_248, %broadcast_in_dim3A_250, %get3A_245 : vector<16xi1>, vector<16xf32>
            %swap3A_252 = arith.constant 11 : i32
            %swap3A_253 = arith.index_cast %swap3A_252 : i32 to index
            %swap3A_254 = arith.constant 0 : index
            %swap3A_255 = tpu.vector_load %run_scoped3A_9[%swap3A_253, %swap3A_254] {strides = array<i32>} : memref<16x768xf32, #tpu.memory_space<vmem>>, vector<16xf32>,
            tpu.vector_store %run_scoped3A_9[%swap3A_253, %swap3A_254], %select_n3A_251 {strides = array<i32>} : memref<16x768xf32, #tpu.memory_space<vmem>>, vector<16xf32>,
            %get3A_256 = arith.constant 12 : i32
            %get3A_257 = arith.index_cast %get3A_256 : i32 to index
            %get3A_258 = arith.constant 0 : index
            %get3A_259 = tpu.vector_load %run_scoped3A_9[%get3A_257, %get3A_258] {strides = array<i32>} : memref<16x768xf32, #tpu.memory_space<vmem>>, vector<16xf32>,
            %eq3A_260 = arith.constant 1 : i32
            %eq3A_261 = vector.broadcast %eq3A_260 : i32 to vector<16xi32>
            %eq3A_262 = arith.cmpi eq, %iota3A, %eq3A_261 : vector<16xi32>
            %jit3A_263 = arith.constant 1.000000e+00 : f32
            %broadcast_in_dim3A_264 = vector.broadcast %jit3A_263 : f32 to vector<16xf32>
            %select_n3A_265 = arith.select %eq3A_262, %broadcast_in_dim3A_264, %get3A_259 : vector<16xi1>, vector<16xf32>
            %swap3A_266 = arith.constant 12 : i32
            %swap3A_267 = arith.index_cast %swap3A_266 : i32 to index
            %swap3A_268 = arith.constant 0 : index
            %swap3A_269 = tpu.vector_load %run_scoped3A_9[%swap3A_267, %swap3A_268] {strides = array<i32>} : memref<16x768xf32, #tpu.memory_space<vmem>>, vector<16xf32>,
            tpu.vector_store %run_scoped3A_9[%swap3A_267, %swap3A_268], %select_n3A_265 {strides = array<i32>} : memref<16x768xf32, #tpu.memory_space<vmem>>, vector<16xf32>,
            %get3A_270 = arith.constant 13 : i32
            %get3A_271 = arith.index_cast %get3A_270 : i32 to index
            %get3A_272 = arith.constant 0 : index
            %get3A_273 = tpu.vector_load %run_scoped3A_9[%get3A_271, %get3A_272] {strides = array<i32>} : memref<16x768xf32, #tpu.memory_space<vmem>>, vector<16xf32>,
            %eq3A_274 = arith.constant 1 : i32
            %eq3A_275 = vector.broadcast %eq3A_274 : i32 to vector<16xi32>
            %eq3A_276 = arith.cmpi eq, %iota3A, %eq3A_275 : vector<16xi32>
            %jit3A_277 = arith.constant 1.000000e+00 : f32
            %broadcast_in_dim3A_278 = vector.broadcast %jit3A_277 : f32 to vector<16xf32>
            %select_n3A_279 = arith.select %eq3A_276, %broadcast_in_dim3A_278, %get3A_273 : vector<16xi1>, vector<16xf32>
            %swap3A_280 = arith.constant 13 : i32
            %swap3A_281 = arith.index_cast %swap3A_280 : i32 to index
            %swap3A_282 = arith.constant 0 : index
            %swap3A_283 = tpu.vector_load %run_scoped3A_9[%swap3A_281, %swap3A_282] {strides = array<i32>} : memref<16x768xf32, #tpu.memory_space<vmem>>, vector<16xf32>,
            tpu.vector_store %run_scoped3A_9[%swap3A_281, %swap3A_282], %select_n3A_279 {strides = array<i32>} : memref<16x768xf32, #tpu.memory_space<vmem>>, vector<16xf32>,
            %get3A_284 = arith.constant 14 : i32
            %get3A_285 = arith.index_cast %get3A_284 : i32 to index
            %get3A_286 = arith.constant 0 : index
            %get3A_287 = tpu.vector_load %run_scoped3A_9[%get3A_285, %get3A_286] {strides = array<i32>} : memref<16x768xf32, #tpu.memory_space<vmem>>, vector<16xf32>,
            %eq3A_288 = arith.constant 1 : i32
            %eq3A_289 = vector.broadcast %eq3A_288 : i32 to vector<16xi32>
            %eq3A_290 = arith.cmpi eq, %iota3A, %eq3A_289 : vector<16xi32>
            %jit3A_291 = arith.constant 1.000000e+00 : f32
            %broadcast_in_dim3A_292 = vector.broadcast %jit3A_291 : f32 to vector<16xf32>
            %select_n3A_293 = arith.select %eq3A_290, %broadcast_in_dim3A_292, %get3A_287 : vector<16xi1>, vector<16xf32>
            %swap3A_294 = arith.constant 14 : i32
            %swap3A_295 = arith.index_cast %swap3A_294 : i32 to index
            %swap3A_296 = arith.constant 0 : index
            %swap3A_297 = tpu.vector_load %run_scoped3A_9[%swap3A_295, %swap3A_296] {strides = array<i32>} : memref<16x768xf32, #tpu.memory_space<vmem>>, vector<16xf32>,
            tpu.vector_store %run_scoped3A_9[%swap3A_295, %swap3A_296], %select_n3A_293 {strides = array<i32>} : memref<16x768xf32, #tpu.memory_space<vmem>>, vector<16xf32>,
            %get3A_298 = arith.constant 15 : i32
            %get3A_299 = arith.index_cast %get3A_298 : i32 to index
            %get3A_300 = arith.constant 0 : index
            %get3A_301 = tpu.vector_load %run_scoped3A_9[%get3A_299, %get3A_300] {strides = array<i32>} : memref<16x768xf32, #tpu.memory_space<vmem>>, vector<16xf32>,
            %eq3A_302 = arith.constant 1 : i32
            %eq3A_303 = vector.broadcast %eq3A_302 : i32 to vector<16xi32>
            %eq3A_304 = arith.cmpi eq, %iota3A, %eq3A_303 : vector<16xi32>
            %jit3A_305 = arith.constant 1.000000e+00 : f32
            %broadcast_in_dim3A_306 = vector.broadcast %jit3A_305 : f32 to vector<16xf32>
            %select_n3A_307 = arith.select %eq3A_304, %broadcast_in_dim3A_306, %get3A_301 : vector<16xi1>, vector<16xf32>
            %swap3A_308 = arith.constant 15 : i32
            %swap3A_309 = arith.index_cast %swap3A_308 : i32 to index
            %swap3A_310 = arith.constant 0 : index
            %swap3A_311 = tpu.vector_load %run_scoped3A_9[%swap3A_309, %swap3A_310] {strides = array<i32>} : memref<16x768xf32, #tpu.memory_space<vmem>>, vector<16xf32>,
            tpu.vector_store %run_scoped3A_9[%swap3A_309, %swap3A_310], %select_n3A_307 {strides = array<i32>} : memref<16x768xf32, #tpu.memory_space<vmem>>, vector<16xf32>,
          } else {
          }
          %mul3A_88 = arith.constant 768 : i32
          %mul3A_89 = arith.muli %add3A_30, %mul3A_88 : i32
          %dma_start3A = arith.constant 0 : i32
          %dma_start3A_90 = tpu.memref_slice %arg7[%dma_start3A, %mul3A_89] : memref<16x500000xf32, #tpu.memory_space<hbm>> -> memref<16x768xf32, #tpu.memory_space<hbm>>
          %dma_start3A_91 = arith.constant 0 : i32
          %dma_start3A_92 = tpu.memref_slice %arg7[%dma_start3A_91, %mul3A_89] : memref<16x500000xf32, #tpu.memory_space<hbm>> -> memref<16x768xf32, #tpu.memory_space<hbm>>
          tpu.enqueue_dma source(%run_scoped3A_9 : memref<16x768xf32, #tpu.memory_space<vmem>>) target(%dma_start3A_92 : memref<16x768xf32, #tpu.memory_space<hbm>>) target_semaphore(%arg11 : memref<!tpu.dma_semaphore, #tpu.memory_space<semaphore_mem>>)
        } else {
        }
        %eq3A_43 = arith.constant 651 : i32
        %eq3A_44 = arith.cmpi eq, %add3A_30, %eq3A_43 : i32
        %convert_element_type3A_45 = arith.extui %eq3A_44 : i1 to i32
        %cond3A_46 = arith.constant 0 : i32
        %cond3A_47 = arith.cmpi ne, %convert_element_type3A_45, %cond3A_46 : i32
        scf.if %cond3A_47 {
          "tpu.region"() ({
            %run_scoped3A_81 = tpu.sem_alloc : memref<!tpu.dma_semaphore, #tpu.memory_space<semaphore_mem>>
            %dma_start3A = arith.constant 0 : i32
            %dma_start3A_82 = tpu.memref_slice %run_scoped3A_8[%dma_start3A] : memref<768xi32, #tpu.memory_space<vmem>> -> memref<32xi32, #tpu.memory_space<vmem>>
            %dma_start3A_83 = arith.constant 499968 : i32
            %dma_start3A_84 = tpu.memref_slice %arg8[%dma_start3A_83] : memref<501760xi32, #tpu.memory_space<vmem_shared>> -> memref<32xi32, #tpu.memory_space<vmem_shared>>
            %dma_start3A_85 = arith.constant 0 : i32
            %dma_start3A_86 = tpu.memref_slice %run_scoped3A_8[%dma_start3A_85] : memref<768xi32, #tpu.memory_space<vmem>> -> memref<32xi32, #tpu.memory_space<vmem>>
            %dma_start3A_87 = arith.constant 499968 : i32
            %dma_start3A_88 = tpu.memref_slice %arg8[%dma_start3A_87] : memref<501760xi32, #tpu.memory_space<vmem_shared>> -> memref<32xi32, #tpu.memory_space<vmem_shared>>
            tpu.enqueue_dma source(%dma_start3A_88 : memref<32xi32, #tpu.memory_space<vmem_shared>>) target(%dma_start3A_86 : memref<32xi32, #tpu.memory_space<vmem>>) target_semaphore(%run_scoped3A_81 : memref<!tpu.dma_semaphore, #tpu.memory_space<semaphore_mem>>)
            %dma_wait3A = arith.constant 0 : i32
            %dma_wait3A_89 = tpu.memref_slice %run_scoped3A_8[%dma_wait3A] : memref<768xi32, #tpu.memory_space<vmem>> -> memref<32xi32, #tpu.memory_space<vmem>>
            %dma_wait3A_90 = arith.constant 499968 : i32
            %dma_wait3A_91 = tpu.memref_slice %arg8[%dma_wait3A_90] : memref<501760xi32, #tpu.memory_space<vmem_shared>> -> memref<32xi32, #tpu.memory_space<vmem_shared>>
            %dma_wait3A_92 = arith.constant 0 : i32
            %dma_wait3A_93 = tpu.memref_slice %run_scoped3A_8[%dma_wait3A_92] : memref<768xi32, #tpu.memory_space<vmem>> -> memref<32xi32, #tpu.memory_space<vmem>>
            %dma_wait3A_94 = arith.constant 499968 : i32
            %dma_wait3A_95 = tpu.memref_slice %arg8[%dma_wait3A_94] : memref<501760xi32, #tpu.memory_space<vmem_shared>> -> memref<32xi32, #tpu.memory_space<vmem_shared>>
            tpu.wait_dma2 semaphore(%run_scoped3A_81 : memref<!tpu.dma_semaphore, #tpu.memory_space<semaphore_mem>>) src(%dma_wait3A_95 : memref<32xi32, #tpu.memory_space<vmem_shared>>) dst(%dma_wait3A_93 : memref<32xi32, #tpu.memory_space<vmem>>)
            tpu.yield
          }) : () -> ()
          %scan3A_75 = arith.constant 0 : i32
          %scan3A_76 = arith.constant 0 : i32
          %scan3A_77 = arith.constant 2 : i32
          %scan3A_78 = arith.addi %scan3A_76, %scan3A_77 : i32
          %scan3A_79 = arith.constant 1 : i32
          scf.for %scan3A_81 = %scan3A_76 to %scan3A_78 step %scan3A_79  : i32 {
            %mul3A_82 = arith.constant 16 : i32
            %mul3A_83 = arith.muli %scan3A_81, %mul3A_82 : i32
            %get3A = arith.index_cast %mul3A_83 : i32 to index
            %get3A_84 = tpu.vector_load %run_scoped3A_8[%get3A] {strides = array<i32>} : memref<768xi32, #tpu.memory_space<vmem>>, vector<16xi32>,
            %add3A_85 = arith.constant 0 : i32
            %add3A_86 = vector.broadcast %add3A_85 : i32 to vector<16xi32>
            %add3A_87 = arith.addi %get3A_84, %add3A_86 : vector<16xi32>
            %gather3A = tpu.vector_load_idx %run_scoped3A[%add3A_87] : memref<65664xf32, #tpu.memory_space<vmem>>[vector<16xi32>], vector<16xf32>,
            %mul3A_88 = arith.constant 16 : i32
            %mul3A_89 = arith.muli %scan3A_81, %mul3A_88 : i32
            %swap3A = arith.constant 0 : i32
            %swap3A_90 = arith.index_cast %swap3A : i32 to index
            %swap3A_91 = arith.index_cast %mul3A_89 : i32 to index
            %swap3A_92 = tpu.vector_load %run_scoped3A_11[%swap3A_90, %swap3A_91] {strides = array<i32>} : memref<16x32xf32, #tpu.memory_space<vmem>>, vector<16xf32>,
            tpu.vector_store %run_scoped3A_11[%swap3A_90, %swap3A_91], %gather3A {strides = array<i32>} : memref<16x32xf32, #tpu.memory_space<vmem>>, vector<16xf32>,
            %add3A_93 = arith.constant 4104 : i32
            %add3A_94 = vector.broadcast %add3A_93 : i32 to vector<16xi32>
            %add3A_95 = arith.addi %get3A_84, %add3A_94 : vector<16xi32>
            %gather3A_96 = tpu.vector_load_idx %run_scoped3A[%add3A_95] : memref<65664xf32, #tpu.memory_space<vmem>>[vector<16xi32>], vector<16xf32>,
            %mul3A_97 = arith.constant 16 : i32
            %mul3A_98 = arith.muli %scan3A_81, %mul3A_97 : i32
            %swap3A_99 = arith.constant 1 : i32
            %swap3A_100 = arith.index_cast %swap3A_99 : i32 to index
            %swap3A_101 = arith.index_cast %mul3A_98 : i32 to index
            %swap3A_102 = tpu.vector_load %run_scoped3A_11[%swap3A_100, %swap3A_101] {strides = array<i32>} : memref<16x32xf32, #tpu.memory_space<vmem>>, vector<16xf32>,
            tpu.vector_store %run_scoped3A_11[%swap3A_100, %swap3A_101], %gather3A_96 {strides = array<i32>} : memref<16x32xf32, #tpu.memory_space<vmem>>, vector<16xf32>,
            %add3A_103 = arith.constant 8208 : i32
            %add3A_104 = vector.broadcast %add3A_103 : i32 to vector<16xi32>
            %add3A_105 = arith.addi %get3A_84, %add3A_104 : vector<16xi32>
            %gather3A_106 = tpu.vector_load_idx %run_scoped3A[%add3A_105] : memref<65664xf32, #tpu.memory_space<vmem>>[vector<16xi32>], vector<16xf32>,
            %mul3A_107 = arith.constant 16 : i32
            %mul3A_108 = arith.muli %scan3A_81, %mul3A_107 : i32
            %swap3A_109 = arith.constant 2 : i32
            %swap3A_110 = arith.index_cast %swap3A_109 : i32 to index
            %swap3A_111 = arith.index_cast %mul3A_108 : i32 to index
            %swap3A_112 = tpu.vector_load %run_scoped3A_11[%swap3A_110, %swap3A_111] {strides = array<i32>} : memref<16x32xf32, #tpu.memory_space<vmem>>, vector<16xf32>,
            tpu.vector_store %run_scoped3A_11[%swap3A_110, %swap3A_111], %gather3A_106 {strides = array<i32>} : memref<16x32xf32, #tpu.memory_space<vmem>>, vector<16xf32>,
            %add3A_113 = arith.constant 12312 : i32
            %add3A_114 = vector.broadcast %add3A_113 : i32 to vector<16xi32>
            %add3A_115 = arith.addi %get3A_84, %add3A_114 : vector<16xi32>
            %gather3A_116 = tpu.vector_load_idx %run_scoped3A[%add3A_115] : memref<65664xf32, #tpu.memory_space<vmem>>[vector<16xi32>], vector<16xf32>,
            %mul3A_117 = arith.constant 16 : i32
            %mul3A_118 = arith.muli %scan3A_81, %mul3A_117 : i32
            %swap3A_119 = arith.constant 3 : i32
            %swap3A_120 = arith.index_cast %swap3A_119 : i32 to index
            %swap3A_121 = arith.index_cast %mul3A_118 : i32 to index
            %swap3A_122 = tpu.vector_load %run_scoped3A_11[%swap3A_120, %swap3A_121] {strides = array<i32>} : memref<16x32xf32, #tpu.memory_space<vmem>>, vector<16xf32>,
            tpu.vector_store %run_scoped3A_11[%swap3A_120, %swap3A_121], %gather3A_116 {strides = array<i32>} : memref<16x32xf32, #tpu.memory_space<vmem>>, vector<16xf32>,
            %add3A_123 = arith.constant 16416 : i32
            %add3A_124 = vector.broadcast %add3A_123 : i32 to vector<16xi32>
            %add3A_125 = arith.addi %get3A_84, %add3A_124 : vector<16xi32>
            %gather3A_126 = tpu.vector_load_idx %run_scoped3A[%add3A_125] : memref<65664xf32, #tpu.memory_space<vmem>>[vector<16xi32>], vector<16xf32>,
            %mul3A_127 = arith.constant 16 : i32
            %mul3A_128 = arith.muli %scan3A_81, %mul3A_127 : i32
            %swap3A_129 = arith.constant 4 : i32
            %swap3A_130 = arith.index_cast %swap3A_129 : i32 to index
            %swap3A_131 = arith.index_cast %mul3A_128 : i32 to index
            %swap3A_132 = tpu.vector_load %run_scoped3A_11[%swap3A_130, %swap3A_131] {strides = array<i32>} : memref<16x32xf32, #tpu.memory_space<vmem>>, vector<16xf32>,
            tpu.vector_store %run_scoped3A_11[%swap3A_130, %swap3A_131], %gather3A_126 {strides = array<i32>} : memref<16x32xf32, #tpu.memory_space<vmem>>, vector<16xf32>,
            %add3A_133 = arith.constant 20520 : i32
            %add3A_134 = vector.broadcast %add3A_133 : i32 to vector<16xi32>
            %add3A_135 = arith.addi %get3A_84, %add3A_134 : vector<16xi32>
            %gather3A_136 = tpu.vector_load_idx %run_scoped3A[%add3A_135] : memref<65664xf32, #tpu.memory_space<vmem>>[vector<16xi32>], vector<16xf32>,
            %mul3A_137 = arith.constant 16 : i32
            %mul3A_138 = arith.muli %scan3A_81, %mul3A_137 : i32
            %swap3A_139 = arith.constant 5 : i32
            %swap3A_140 = arith.index_cast %swap3A_139 : i32 to index
            %swap3A_141 = arith.index_cast %mul3A_138 : i32 to index
            %swap3A_142 = tpu.vector_load %run_scoped3A_11[%swap3A_140, %swap3A_141] {strides = array<i32>} : memref<16x32xf32, #tpu.memory_space<vmem>>, vector<16xf32>,
            tpu.vector_store %run_scoped3A_11[%swap3A_140, %swap3A_141], %gather3A_136 {strides = array<i32>} : memref<16x32xf32, #tpu.memory_space<vmem>>, vector<16xf32>,
            %add3A_143 = arith.constant 24624 : i32
            %add3A_144 = vector.broadcast %add3A_143 : i32 to vector<16xi32>
            %add3A_145 = arith.addi %get3A_84, %add3A_144 : vector<16xi32>
            %gather3A_146 = tpu.vector_load_idx %run_scoped3A[%add3A_145] : memref<65664xf32, #tpu.memory_space<vmem>>[vector<16xi32>], vector<16xf32>,
            %mul3A_147 = arith.constant 16 : i32
            %mul3A_148 = arith.muli %scan3A_81, %mul3A_147 : i32
            %swap3A_149 = arith.constant 6 : i32
            %swap3A_150 = arith.index_cast %swap3A_149 : i32 to index
            %swap3A_151 = arith.index_cast %mul3A_148 : i32 to index
            %swap3A_152 = tpu.vector_load %run_scoped3A_11[%swap3A_150, %swap3A_151] {strides = array<i32>} : memref<16x32xf32, #tpu.memory_space<vmem>>, vector<16xf32>,
            tpu.vector_store %run_scoped3A_11[%swap3A_150, %swap3A_151], %gather3A_146 {strides = array<i32>} : memref<16x32xf32, #tpu.memory_space<vmem>>, vector<16xf32>,
            %add3A_153 = arith.constant 28728 : i32
            %add3A_154 = vector.broadcast %add3A_153 : i32 to vector<16xi32>
            %add3A_155 = arith.addi %get3A_84, %add3A_154 : vector<16xi32>
            %gather3A_156 = tpu.vector_load_idx %run_scoped3A[%add3A_155] : memref<65664xf32, #tpu.memory_space<vmem>>[vector<16xi32>], vector<16xf32>,
            %mul3A_157 = arith.constant 16 : i32
            %mul3A_158 = arith.muli %scan3A_81, %mul3A_157 : i32
            %swap3A_159 = arith.constant 7 : i32
            %swap3A_160 = arith.index_cast %swap3A_159 : i32 to index
            %swap3A_161 = arith.index_cast %mul3A_158 : i32 to index
            %swap3A_162 = tpu.vector_load %run_scoped3A_11[%swap3A_160, %swap3A_161] {strides = array<i32>} : memref<16x32xf32, #tpu.memory_space<vmem>>, vector<16xf32>,
            tpu.vector_store %run_scoped3A_11[%swap3A_160, %swap3A_161], %gather3A_156 {strides = array<i32>} : memref<16x32xf32, #tpu.memory_space<vmem>>, vector<16xf32>,
            %add3A_163 = arith.constant 32832 : i32
            %add3A_164 = vector.broadcast %add3A_163 : i32 to vector<16xi32>
            %add3A_165 = arith.addi %get3A_84, %add3A_164 : vector<16xi32>
            %gather3A_166 = tpu.vector_load_idx %run_scoped3A[%add3A_165] : memref<65664xf32, #tpu.memory_space<vmem>>[vector<16xi32>], vector<16xf32>,
            %mul3A_167 = arith.constant 16 : i32
            %mul3A_168 = arith.muli %scan3A_81, %mul3A_167 : i32
            %swap3A_169 = arith.constant 8 : i32
            %swap3A_170 = arith.index_cast %swap3A_169 : i32 to index
            %swap3A_171 = arith.index_cast %mul3A_168 : i32 to index
            %swap3A_172 = tpu.vector_load %run_scoped3A_11[%swap3A_170, %swap3A_171] {strides = array<i32>} : memref<16x32xf32, #tpu.memory_space<vmem>>, vector<16xf32>,
            tpu.vector_store %run_scoped3A_11[%swap3A_170, %swap3A_171], %gather3A_166 {strides = array<i32>} : memref<16x32xf32, #tpu.memory_space<vmem>>, vector<16xf32>,
            %add3A_173 = arith.constant 36936 : i32
            %add3A_174 = vector.broadcast %add3A_173 : i32 to vector<16xi32>
            %add3A_175 = arith.addi %get3A_84, %add3A_174 : vector<16xi32>
            %gather3A_176 = tpu.vector_load_idx %run_scoped3A[%add3A_175] : memref<65664xf32, #tpu.memory_space<vmem>>[vector<16xi32>], vector<16xf32>,
            %mul3A_177 = arith.constant 16 : i32
            %mul3A_178 = arith.muli %scan3A_81, %mul3A_177 : i32
            %swap3A_179 = arith.constant 9 : i32
            %swap3A_180 = arith.index_cast %swap3A_179 : i32 to index
            %swap3A_181 = arith.index_cast %mul3A_178 : i32 to index
            %swap3A_182 = tpu.vector_load %run_scoped3A_11[%swap3A_180, %swap3A_181] {strides = array<i32>} : memref<16x32xf32, #tpu.memory_space<vmem>>, vector<16xf32>,
            tpu.vector_store %run_scoped3A_11[%swap3A_180, %swap3A_181], %gather3A_176 {strides = array<i32>} : memref<16x32xf32, #tpu.memory_space<vmem>>, vector<16xf32>,
            %add3A_183 = arith.constant 41040 : i32
            %add3A_184 = vector.broadcast %add3A_183 : i32 to vector<16xi32>
            %add3A_185 = arith.addi %get3A_84, %add3A_184 : vector<16xi32>
            %gather3A_186 = tpu.vector_load_idx %run_scoped3A[%add3A_185] : memref<65664xf32, #tpu.memory_space<vmem>>[vector<16xi32>], vector<16xf32>,
            %mul3A_187 = arith.constant 16 : i32
            %mul3A_188 = arith.muli %scan3A_81, %mul3A_187 : i32
            %swap3A_189 = arith.constant 10 : i32
            %swap3A_190 = arith.index_cast %swap3A_189 : i32 to index
            %swap3A_191 = arith.index_cast %mul3A_188 : i32 to index
            %swap3A_192 = tpu.vector_load %run_scoped3A_11[%swap3A_190, %swap3A_191] {strides = array<i32>} : memref<16x32xf32, #tpu.memory_space<vmem>>, vector<16xf32>,
            tpu.vector_store %run_scoped3A_11[%swap3A_190, %swap3A_191], %gather3A_186 {strides = array<i32>} : memref<16x32xf32, #tpu.memory_space<vmem>>, vector<16xf32>,
            %add3A_193 = arith.constant 45144 : i32
            %add3A_194 = vector.broadcast %add3A_193 : i32 to vector<16xi32>
            %add3A_195 = arith.addi %get3A_84, %add3A_194 : vector<16xi32>
            %gather3A_196 = tpu.vector_load_idx %run_scoped3A[%add3A_195] : memref<65664xf32, #tpu.memory_space<vmem>>[vector<16xi32>], vector<16xf32>,
            %mul3A_197 = arith.constant 16 : i32
            %mul3A_198 = arith.muli %scan3A_81, %mul3A_197 : i32
            %swap3A_199 = arith.constant 11 : i32
            %swap3A_200 = arith.index_cast %swap3A_199 : i32 to index
            %swap3A_201 = arith.index_cast %mul3A_198 : i32 to index
            %swap3A_202 = tpu.vector_load %run_scoped3A_11[%swap3A_200, %swap3A_201] {strides = array<i32>} : memref<16x32xf32, #tpu.memory_space<vmem>>, vector<16xf32>,
            tpu.vector_store %run_scoped3A_11[%swap3A_200, %swap3A_201], %gather3A_196 {strides = array<i32>} : memref<16x32xf32, #tpu.memory_space<vmem>>, vector<16xf32>,
            %add3A_203 = arith.constant 49248 : i32
            %add3A_204 = vector.broadcast %add3A_203 : i32 to vector<16xi32>
            %add3A_205 = arith.addi %get3A_84, %add3A_204 : vector<16xi32>
            %gather3A_206 = tpu.vector_load_idx %run_scoped3A[%add3A_205] : memref<65664xf32, #tpu.memory_space<vmem>>[vector<16xi32>], vector<16xf32>,
            %mul3A_207 = arith.constant 16 : i32
            %mul3A_208 = arith.muli %scan3A_81, %mul3A_207 : i32
            %swap3A_209 = arith.constant 12 : i32
            %swap3A_210 = arith.index_cast %swap3A_209 : i32 to index
            %swap3A_211 = arith.index_cast %mul3A_208 : i32 to index
            %swap3A_212 = tpu.vector_load %run_scoped3A_11[%swap3A_210, %swap3A_211] {strides = array<i32>} : memref<16x32xf32, #tpu.memory_space<vmem>>, vector<16xf32>,
            tpu.vector_store %run_scoped3A_11[%swap3A_210, %swap3A_211], %gather3A_206 {strides = array<i32>} : memref<16x32xf32, #tpu.memory_space<vmem>>, vector<16xf32>,
            %add3A_213 = arith.constant 53352 : i32
            %add3A_214 = vector.broadcast %add3A_213 : i32 to vector<16xi32>
            %add3A_215 = arith.addi %get3A_84, %add3A_214 : vector<16xi32>
            %gather3A_216 = tpu.vector_load_idx %run_scoped3A[%add3A_215] : memref<65664xf32, #tpu.memory_space<vmem>>[vector<16xi32>], vector<16xf32>,
            %mul3A_217 = arith.constant 16 : i32
            %mul3A_218 = arith.muli %scan3A_81, %mul3A_217 : i32
            %swap3A_219 = arith.constant 13 : i32
            %swap3A_220 = arith.index_cast %swap3A_219 : i32 to index
            %swap3A_221 = arith.index_cast %mul3A_218 : i32 to index
            %swap3A_222 = tpu.vector_load %run_scoped3A_11[%swap3A_220, %swap3A_221] {strides = array<i32>} : memref<16x32xf32, #tpu.memory_space<vmem>>, vector<16xf32>,
            tpu.vector_store %run_scoped3A_11[%swap3A_220, %swap3A_221], %gather3A_216 {strides = array<i32>} : memref<16x32xf32, #tpu.memory_space<vmem>>, vector<16xf32>,
            %add3A_223 = arith.constant 57456 : i32
            %add3A_224 = vector.broadcast %add3A_223 : i32 to vector<16xi32>
            %add3A_225 = arith.addi %get3A_84, %add3A_224 : vector<16xi32>
            %gather3A_226 = tpu.vector_load_idx %run_scoped3A[%add3A_225] : memref<65664xf32, #tpu.memory_space<vmem>>[vector<16xi32>], vector<16xf32>,
            %mul3A_227 = arith.constant 16 : i32
            %mul3A_228 = arith.muli %scan3A_81, %mul3A_227 : i32
            %swap3A_229 = arith.constant 14 : i32
            %swap3A_230 = arith.index_cast %swap3A_229 : i32 to index
            %swap3A_231 = arith.index_cast %mul3A_228 : i32 to index
            %swap3A_232 = tpu.vector_load %run_scoped3A_11[%swap3A_230, %swap3A_231] {strides = array<i32>} : memref<16x32xf32, #tpu.memory_space<vmem>>, vector<16xf32>,
            tpu.vector_store %run_scoped3A_11[%swap3A_230, %swap3A_231], %gather3A_226 {strides = array<i32>} : memref<16x32xf32, #tpu.memory_space<vmem>>, vector<16xf32>,
            %add3A_233 = arith.constant 61560 : i32
            %add3A_234 = vector.broadcast %add3A_233 : i32 to vector<16xi32>
            %add3A_235 = arith.addi %get3A_84, %add3A_234 : vector<16xi32>
            %gather3A_236 = tpu.vector_load_idx %run_scoped3A[%add3A_235] : memref<65664xf32, #tpu.memory_space<vmem>>[vector<16xi32>], vector<16xf32>,
            %mul3A_237 = arith.constant 16 : i32
            %mul3A_238 = arith.muli %scan3A_81, %mul3A_237 : i32
            %swap3A_239 = arith.constant 15 : i32
            %swap3A_240 = arith.index_cast %swap3A_239 : i32 to index
            %swap3A_241 = arith.index_cast %mul3A_238 : i32 to index
            %swap3A_242 = tpu.vector_load %run_scoped3A_11[%swap3A_240, %swap3A_241] {strides = array<i32>} : memref<16x32xf32, #tpu.memory_space<vmem>>, vector<16xf32>,
            tpu.vector_store %run_scoped3A_11[%swap3A_240, %swap3A_241], %gather3A_236 {strides = array<i32>} : memref<16x32xf32, #tpu.memory_space<vmem>>, vector<16xf32>,
          }
          %scan3A_80 = arith.constant 2 : i32
          "tpu.region"() ({
            %run_scoped3A_81 = tpu.sem_alloc : memref<!tpu.dma_semaphore, #tpu.memory_space<semaphore_mem>>
            %dma_start3A = arith.constant 0 : i32
            %dma_start3A_82 = arith.constant 499968 : i32
            %dma_start3A_83 = tpu.memref_slice %arg7[%dma_start3A, %dma_start3A_82] : memref<16x500000xf32, #tpu.memory_space<hbm>> -> memref<16x32xf32, #tpu.memory_space<hbm>>
            %dma_start3A_84 = arith.constant 0 : i32
            %dma_start3A_85 = arith.constant 499968 : i32
            %dma_start3A_86 = tpu.memref_slice %arg7[%dma_start3A_84, %dma_start3A_85] : memref<16x500000xf32, #tpu.memory_space<hbm>> -> memref<16x32xf32, #tpu.memory_space<hbm>>
            tpu.enqueue_dma source(%run_scoped3A_11 : memref<16x32xf32, #tpu.memory_space<vmem>>) target(%dma_start3A_86 : memref<16x32xf32, #tpu.memory_space<hbm>>) target_semaphore(%run_scoped3A_81 : memref<!tpu.dma_semaphore, #tpu.memory_space<semaphore_mem>>)
            %dma_wait3A = arith.constant 0 : i32
            %dma_wait3A_87 = arith.constant 499968 : i32
            %dma_wait3A_88 = tpu.memref_slice %arg7[%dma_wait3A, %dma_wait3A_87] : memref<16x500000xf32, #tpu.memory_space<hbm>> -> memref<16x32xf32, #tpu.memory_space<hbm>>
            %dma_wait3A_89 = arith.constant 0 : i32
            %dma_wait3A_90 = arith.constant 499968 : i32
            %dma_wait3A_91 = tpu.memref_slice %arg7[%dma_wait3A_89, %dma_wait3A_90] : memref<16x500000xf32, #tpu.memory_space<hbm>> -> memref<16x32xf32, #tpu.memory_space<hbm>>
            tpu.wait_dma2 semaphore(%run_scoped3A_81 : memref<!tpu.dma_semaphore, #tpu.memory_space<semaphore_mem>>) src(%run_scoped3A_11 : memref<16x32xf32, #tpu.memory_space<vmem>>) dst(%dma_wait3A_91 : memref<16x32xf32, #tpu.memory_space<hbm>>)
            tpu.yield
          }) : () -> ()
        } else {
        }
        %mul3A_48 = arith.constant 2 : i32
        %mul3A_49 = arith.muli %mul3A_48, %scan3A_23 : i32
        %add3A_50 = arith.constant 1 : i32
        %add3A_51 = arith.addi %mul3A_49, %add3A_50 : i32
        %mul3A_52 = arith.constant 32 : i32
        %mul3A_53 = arith.muli %mul3A_52, %add3A_51 : i32
        %add3A_54 = arith.addi %add3A, %mul3A_53 : i32
        %ge3A_55 = arith.constant 2 : i32
        %ge3A_56 = arith.cmpi sge, %add3A_51, %ge3A_55 : i32
        %sub3A_57 = arith.constant 64 : i32
        %sub3A_58 = arith.subi %add3A_54, %sub3A_57 : i32
        %lt3A_59 = arith.constant 651 : i32
        %lt3A_60 = arith.cmpi slt, %sub3A_58, %lt3A_59 : i32
        %and3A_61 = arith.andi %ge3A_56, %lt3A_60 : i1
        %convert_element_type3A_62 = arith.extui %and3A_61 : i1 to i32
        %cond3A_63 = arith.constant 0 : i32
        %cond3A_64 = arith.cmpi ne, %convert_element_type3A_62, %cond3A_63 : i32
        scf.if %cond3A_64 {
          %dma_wait3A = arith.constant 0 : i32
          %dma_wait3A_75 = arith.constant 0 : i32
          %dma_wait3A_76 = tpu.memref_slice %arg7[%dma_wait3A, %dma_wait3A_75] : memref<16x500000xf32, #tpu.memory_space<hbm>> -> memref<16x768xf32, #tpu.memory_space<hbm>>
          %dma_wait3A_77 = arith.constant 0 : i32
          %dma_wait3A_78 = arith.constant 0 : i32
          %dma_wait3A_79 = tpu.memref_slice %arg7[%dma_wait3A_77, %dma_wait3A_78] : memref<16x500000xf32, #tpu.memory_space<hbm>> -> memref<16x768xf32, #tpu.memory_space<hbm>>
          tpu.wait_dma2 semaphore(%arg12 : memref<!tpu.dma_semaphore, #tpu.memory_space<semaphore_mem>>) src(%run_scoped3A_10 : memref<16x768xf32, #tpu.memory_space<vmem>>) dst(%dma_wait3A_79 : memref<16x768xf32, #tpu.memory_space<hbm>>)
        } else {
        }
        %lt3A_65 = arith.constant 651 : i32
        %lt3A_66 = arith.cmpi slt, %add3A_54, %lt3A_65 : i32
        %convert_element_type3A_67 = arith.extui %lt3A_66 : i1 to i32
        %cond3A_68 = arith.constant 0 : i32
        %cond3A_69 = arith.cmpi ne, %convert_element_type3A_67, %cond3A_68 : i32
        scf.if %cond3A_69 {
          %mul3A_75 = arith.constant 768 : i32
          %mul3A_76 = arith.muli %add3A_54, %mul3A_75 : i32
          "tpu.region"() ({
            %run_scoped3A_93 = tpu.sem_alloc : memref<!tpu.dma_semaphore, #tpu.memory_space<semaphore_mem>>
            %dma_start3A_94 = arith.constant 0 : i32
            %dma_start3A_95 = tpu.memref_slice %run_scoped3A_8[%dma_start3A_94] : memref<768xi32, #tpu.memory_space<vmem>> -> memref<768xi32, #tpu.memory_space<vmem>>
            %dma_start3A_96 = tpu.memref_slice %arg8[%mul3A_76] : memref<501760xi32, #tpu.memory_space<vmem_shared>> -> memref<768xi32, #tpu.memory_space<vmem_shared>>
            %dma_start3A_97 = arith.constant 0 : i32
            %dma_start3A_98 = tpu.memref_slice %run_scoped3A_8[%dma_start3A_97] : memref<768xi32, #tpu.memory_space<vmem>> -> memref<768xi32, #tpu.memory_space<vmem>>
            %dma_start3A_99 = tpu.memref_slice %arg8[%mul3A_76] : memref<501760xi32, #tpu.memory_space<vmem_shared>> -> memref<768xi32, #tpu.memory_space<vmem_shared>>
            tpu.enqueue_dma source(%dma_start3A_99 : memref<768xi32, #tpu.memory_space<vmem_shared>>) target(%dma_start3A_98 : memref<768xi32, #tpu.memory_space<vmem>>) target_semaphore(%run_scoped3A_93 : memref<!tpu.dma_semaphore, #tpu.memory_space<semaphore_mem>>)
            %dma_wait3A = arith.constant 0 : i32
            %dma_wait3A_100 = tpu.memref_slice %run_scoped3A_8[%dma_wait3A] : memref<768xi32, #tpu.memory_space<vmem>> -> memref<768xi32, #tpu.memory_space<vmem>>
            %dma_wait3A_101 = tpu.memref_slice %arg8[%mul3A_76] : memref<501760xi32, #tpu.memory_space<vmem_shared>> -> memref<768xi32, #tpu.memory_space<vmem_shared>>
            %dma_wait3A_102 = arith.constant 0 : i32
            %dma_wait3A_103 = tpu.memref_slice %run_scoped3A_8[%dma_wait3A_102] : memref<768xi32, #tpu.memory_space<vmem>> -> memref<768xi32, #tpu.memory_space<vmem>>
            %dma_wait3A_104 = tpu.memref_slice %arg8[%mul3A_76] : memref<501760xi32, #tpu.memory_space<vmem_shared>> -> memref<768xi32, #tpu.memory_space<vmem_shared>>
            tpu.wait_dma2 semaphore(%run_scoped3A_93 : memref<!tpu.dma_semaphore, #tpu.memory_space<semaphore_mem>>) src(%dma_wait3A_104 : memref<768xi32, #tpu.memory_space<vmem_shared>>) dst(%dma_wait3A_103 : memref<768xi32, #tpu.memory_space<vmem>>)
            tpu.yield
          }) : () -> ()
          %scan3A_77 = arith.constant 0 : i32
          %scan3A_78 = arith.constant 0 : i32
          %scan3A_79 = arith.constant 48 : i32
          %scan3A_80 = arith.addi %scan3A_78, %scan3A_79 : i32
          %scan3A_81 = arith.constant 1 : i32
          scf.for %scan3A_93 = %scan3A_78 to %scan3A_80 step %scan3A_81  : i32 {
            %mul3A_94 = arith.constant 16 : i32
            %mul3A_95 = arith.muli %scan3A_93, %mul3A_94 : i32
            %get3A = arith.index_cast %mul3A_95 : i32 to index
            %get3A_96 = tpu.vector_load %run_scoped3A_8[%get3A] {strides = array<i32>} : memref<768xi32, #tpu.memory_space<vmem>>, vector<16xi32>,
            %add3A_97 = arith.constant 0 : i32
            %add3A_98 = vector.broadcast %add3A_97 : i32 to vector<16xi32>
            %add3A_99 = arith.addi %get3A_96, %add3A_98 : vector<16xi32>
            %gather3A = tpu.vector_load_idx %run_scoped3A[%add3A_99] : memref<65664xf32, #tpu.memory_space<vmem>>[vector<16xi32>], vector<16xf32>,
            %mul3A_100 = arith.constant 16 : i32
            %mul3A_101 = arith.muli %scan3A_93, %mul3A_100 : i32
            %swap3A = arith.constant 0 : i32
            %swap3A_102 = arith.index_cast %swap3A : i32 to index
            %swap3A_103 = arith.index_cast %mul3A_101 : i32 to index
            %swap3A_104 = tpu.vector_load %run_scoped3A_10[%swap3A_102, %swap3A_103] {strides = array<i32>} : memref<16x768xf32, #tpu.memory_space<vmem>>, vector<16xf32>,
            tpu.vector_store %run_scoped3A_10[%swap3A_102, %swap3A_103], %gather3A {strides = array<i32>} : memref<16x768xf32, #tpu.memory_space<vmem>>, vector<16xf32>,
            %add3A_105 = arith.constant 4104 : i32
            %add3A_106 = vector.broadcast %add3A_105 : i32 to vector<16xi32>
            %add3A_107 = arith.addi %get3A_96, %add3A_106 : vector<16xi32>
            %gather3A_108 = tpu.vector_load_idx %run_scoped3A[%add3A_107] : memref<65664xf32, #tpu.memory_space<vmem>>[vector<16xi32>], vector<16xf32>,
            %mul3A_109 = arith.constant 16 : i32
            %mul3A_110 = arith.muli %scan3A_93, %mul3A_109 : i32
            %swap3A_111 = arith.constant 1 : i32
            %swap3A_112 = arith.index_cast %swap3A_111 : i32 to index
            %swap3A_113 = arith.index_cast %mul3A_110 : i32 to index
            %swap3A_114 = tpu.vector_load %run_scoped3A_10[%swap3A_112, %swap3A_113] {strides = array<i32>} : memref<16x768xf32, #tpu.memory_space<vmem>>, vector<16xf32>,
            tpu.vector_store %run_scoped3A_10[%swap3A_112, %swap3A_113], %gather3A_108 {strides = array<i32>} : memref<16x768xf32, #tpu.memory_space<vmem>>, vector<16xf32>,
            %add3A_115 = arith.constant 8208 : i32
            %add3A_116 = vector.broadcast %add3A_115 : i32 to vector<16xi32>
            %add3A_117 = arith.addi %get3A_96, %add3A_116 : vector<16xi32>
            %gather3A_118 = tpu.vector_load_idx %run_scoped3A[%add3A_117] : memref<65664xf32, #tpu.memory_space<vmem>>[vector<16xi32>], vector<16xf32>,
            %mul3A_119 = arith.constant 16 : i32
            %mul3A_120 = arith.muli %scan3A_93, %mul3A_119 : i32
            %swap3A_121 = arith.constant 2 : i32
            %swap3A_122 = arith.index_cast %swap3A_121 : i32 to index
            %swap3A_123 = arith.index_cast %mul3A_120 : i32 to index
            %swap3A_124 = tpu.vector_load %run_scoped3A_10[%swap3A_122, %swap3A_123] {strides = array<i32>} : memref<16x768xf32, #tpu.memory_space<vmem>>, vector<16xf32>,
            tpu.vector_store %run_scoped3A_10[%swap3A_122, %swap3A_123], %gather3A_118 {strides = array<i32>} : memref<16x768xf32, #tpu.memory_space<vmem>>, vector<16xf32>,
            %add3A_125 = arith.constant 12312 : i32
            %add3A_126 = vector.broadcast %add3A_125 : i32 to vector<16xi32>
            %add3A_127 = arith.addi %get3A_96, %add3A_126 : vector<16xi32>
            %gather3A_128 = tpu.vector_load_idx %run_scoped3A[%add3A_127] : memref<65664xf32, #tpu.memory_space<vmem>>[vector<16xi32>], vector<16xf32>,
            %mul3A_129 = arith.constant 16 : i32
            %mul3A_130 = arith.muli %scan3A_93, %mul3A_129 : i32
            %swap3A_131 = arith.constant 3 : i32
            %swap3A_132 = arith.index_cast %swap3A_131 : i32 to index
            %swap3A_133 = arith.index_cast %mul3A_130 : i32 to index
            %swap3A_134 = tpu.vector_load %run_scoped3A_10[%swap3A_132, %swap3A_133] {strides = array<i32>} : memref<16x768xf32, #tpu.memory_space<vmem>>, vector<16xf32>,
            tpu.vector_store %run_scoped3A_10[%swap3A_132, %swap3A_133], %gather3A_128 {strides = array<i32>} : memref<16x768xf32, #tpu.memory_space<vmem>>, vector<16xf32>,
            %add3A_135 = arith.constant 16416 : i32
            %add3A_136 = vector.broadcast %add3A_135 : i32 to vector<16xi32>
            %add3A_137 = arith.addi %get3A_96, %add3A_136 : vector<16xi32>
            %gather3A_138 = tpu.vector_load_idx %run_scoped3A[%add3A_137] : memref<65664xf32, #tpu.memory_space<vmem>>[vector<16xi32>], vector<16xf32>,
            %mul3A_139 = arith.constant 16 : i32
            %mul3A_140 = arith.muli %scan3A_93, %mul3A_139 : i32
            %swap3A_141 = arith.constant 4 : i32
            %swap3A_142 = arith.index_cast %swap3A_141 : i32 to index
            %swap3A_143 = arith.index_cast %mul3A_140 : i32 to index
            %swap3A_144 = tpu.vector_load %run_scoped3A_10[%swap3A_142, %swap3A_143] {strides = array<i32>} : memref<16x768xf32, #tpu.memory_space<vmem>>, vector<16xf32>,
            tpu.vector_store %run_scoped3A_10[%swap3A_142, %swap3A_143], %gather3A_138 {strides = array<i32>} : memref<16x768xf32, #tpu.memory_space<vmem>>, vector<16xf32>,
            %add3A_145 = arith.constant 20520 : i32
            %add3A_146 = vector.broadcast %add3A_145 : i32 to vector<16xi32>
            %add3A_147 = arith.addi %get3A_96, %add3A_146 : vector<16xi32>
            %gather3A_148 = tpu.vector_load_idx %run_scoped3A[%add3A_147] : memref<65664xf32, #tpu.memory_space<vmem>>[vector<16xi32>], vector<16xf32>,
            %mul3A_149 = arith.constant 16 : i32
            %mul3A_150 = arith.muli %scan3A_93, %mul3A_149 : i32
            %swap3A_151 = arith.constant 5 : i32
            %swap3A_152 = arith.index_cast %swap3A_151 : i32 to index
            %swap3A_153 = arith.index_cast %mul3A_150 : i32 to index
            %swap3A_154 = tpu.vector_load %run_scoped3A_10[%swap3A_152, %swap3A_153] {strides = array<i32>} : memref<16x768xf32, #tpu.memory_space<vmem>>, vector<16xf32>,
            tpu.vector_store %run_scoped3A_10[%swap3A_152, %swap3A_153], %gather3A_148 {strides = array<i32>} : memref<16x768xf32, #tpu.memory_space<vmem>>, vector<16xf32>,
            %add3A_155 = arith.constant 24624 : i32
            %add3A_156 = vector.broadcast %add3A_155 : i32 to vector<16xi32>
            %add3A_157 = arith.addi %get3A_96, %add3A_156 : vector<16xi32>
            %gather3A_158 = tpu.vector_load_idx %run_scoped3A[%add3A_157] : memref<65664xf32, #tpu.memory_space<vmem>>[vector<16xi32>], vector<16xf32>,
            %mul3A_159 = arith.constant 16 : i32
            %mul3A_160 = arith.muli %scan3A_93, %mul3A_159 : i32
            %swap3A_161 = arith.constant 6 : i32
            %swap3A_162 = arith.index_cast %swap3A_161 : i32 to index
            %swap3A_163 = arith.index_cast %mul3A_160 : i32 to index
            %swap3A_164 = tpu.vector_load %run_scoped3A_10[%swap3A_162, %swap3A_163] {strides = array<i32>} : memref<16x768xf32, #tpu.memory_space<vmem>>, vector<16xf32>,
            tpu.vector_store %run_scoped3A_10[%swap3A_162, %swap3A_163], %gather3A_158 {strides = array<i32>} : memref<16x768xf32, #tpu.memory_space<vmem>>, vector<16xf32>,
            %add3A_165 = arith.constant 28728 : i32
            %add3A_166 = vector.broadcast %add3A_165 : i32 to vector<16xi32>
            %add3A_167 = arith.addi %get3A_96, %add3A_166 : vector<16xi32>
            %gather3A_168 = tpu.vector_load_idx %run_scoped3A[%add3A_167] : memref<65664xf32, #tpu.memory_space<vmem>>[vector<16xi32>], vector<16xf32>,
            %mul3A_169 = arith.constant 16 : i32
            %mul3A_170 = arith.muli %scan3A_93, %mul3A_169 : i32
            %swap3A_171 = arith.constant 7 : i32
            %swap3A_172 = arith.index_cast %swap3A_171 : i32 to index
            %swap3A_173 = arith.index_cast %mul3A_170 : i32 to index
            %swap3A_174 = tpu.vector_load %run_scoped3A_10[%swap3A_172, %swap3A_173] {strides = array<i32>} : memref<16x768xf32, #tpu.memory_space<vmem>>, vector<16xf32>,
            tpu.vector_store %run_scoped3A_10[%swap3A_172, %swap3A_173], %gather3A_168 {strides = array<i32>} : memref<16x768xf32, #tpu.memory_space<vmem>>, vector<16xf32>,
            %add3A_175 = arith.constant 32832 : i32
            %add3A_176 = vector.broadcast %add3A_175 : i32 to vector<16xi32>
            %add3A_177 = arith.addi %get3A_96, %add3A_176 : vector<16xi32>
            %gather3A_178 = tpu.vector_load_idx %run_scoped3A[%add3A_177] : memref<65664xf32, #tpu.memory_space<vmem>>[vector<16xi32>], vector<16xf32>,
            %mul3A_179 = arith.constant 16 : i32
            %mul3A_180 = arith.muli %scan3A_93, %mul3A_179 : i32
            %swap3A_181 = arith.constant 8 : i32
            %swap3A_182 = arith.index_cast %swap3A_181 : i32 to index
            %swap3A_183 = arith.index_cast %mul3A_180 : i32 to index
            %swap3A_184 = tpu.vector_load %run_scoped3A_10[%swap3A_182, %swap3A_183] {strides = array<i32>} : memref<16x768xf32, #tpu.memory_space<vmem>>, vector<16xf32>,
            tpu.vector_store %run_scoped3A_10[%swap3A_182, %swap3A_183], %gather3A_178 {strides = array<i32>} : memref<16x768xf32, #tpu.memory_space<vmem>>, vector<16xf32>,
            %add3A_185 = arith.constant 36936 : i32
            %add3A_186 = vector.broadcast %add3A_185 : i32 to vector<16xi32>
            %add3A_187 = arith.addi %get3A_96, %add3A_186 : vector<16xi32>
            %gather3A_188 = tpu.vector_load_idx %run_scoped3A[%add3A_187] : memref<65664xf32, #tpu.memory_space<vmem>>[vector<16xi32>], vector<16xf32>,
            %mul3A_189 = arith.constant 16 : i32
            %mul3A_190 = arith.muli %scan3A_93, %mul3A_189 : i32
            %swap3A_191 = arith.constant 9 : i32
            %swap3A_192 = arith.index_cast %swap3A_191 : i32 to index
            %swap3A_193 = arith.index_cast %mul3A_190 : i32 to index
            %swap3A_194 = tpu.vector_load %run_scoped3A_10[%swap3A_192, %swap3A_193] {strides = array<i32>} : memref<16x768xf32, #tpu.memory_space<vmem>>, vector<16xf32>,
            tpu.vector_store %run_scoped3A_10[%swap3A_192, %swap3A_193], %gather3A_188 {strides = array<i32>} : memref<16x768xf32, #tpu.memory_space<vmem>>, vector<16xf32>,
            %add3A_195 = arith.constant 41040 : i32
            %add3A_196 = vector.broadcast %add3A_195 : i32 to vector<16xi32>
            %add3A_197 = arith.addi %get3A_96, %add3A_196 : vector<16xi32>
            %gather3A_198 = tpu.vector_load_idx %run_scoped3A[%add3A_197] : memref<65664xf32, #tpu.memory_space<vmem>>[vector<16xi32>], vector<16xf32>,
            %mul3A_199 = arith.constant 16 : i32
            %mul3A_200 = arith.muli %scan3A_93, %mul3A_199 : i32
            %swap3A_201 = arith.constant 10 : i32
            %swap3A_202 = arith.index_cast %swap3A_201 : i32 to index
            %swap3A_203 = arith.index_cast %mul3A_200 : i32 to index
            %swap3A_204 = tpu.vector_load %run_scoped3A_10[%swap3A_202, %swap3A_203] {strides = array<i32>} : memref<16x768xf32, #tpu.memory_space<vmem>>, vector<16xf32>,
            tpu.vector_store %run_scoped3A_10[%swap3A_202, %swap3A_203], %gather3A_198 {strides = array<i32>} : memref<16x768xf32, #tpu.memory_space<vmem>>, vector<16xf32>,
            %add3A_205 = arith.constant 45144 : i32
            %add3A_206 = vector.broadcast %add3A_205 : i32 to vector<16xi32>
            %add3A_207 = arith.addi %get3A_96, %add3A_206 : vector<16xi32>
            %gather3A_208 = tpu.vector_load_idx %run_scoped3A[%add3A_207] : memref<65664xf32, #tpu.memory_space<vmem>>[vector<16xi32>], vector<16xf32>,
            %mul3A_209 = arith.constant 16 : i32
            %mul3A_210 = arith.muli %scan3A_93, %mul3A_209 : i32
            %swap3A_211 = arith.constant 11 : i32
            %swap3A_212 = arith.index_cast %swap3A_211 : i32 to index
            %swap3A_213 = arith.index_cast %mul3A_210 : i32 to index
            %swap3A_214 = tpu.vector_load %run_scoped3A_10[%swap3A_212, %swap3A_213] {strides = array<i32>} : memref<16x768xf32, #tpu.memory_space<vmem>>, vector<16xf32>,
            tpu.vector_store %run_scoped3A_10[%swap3A_212, %swap3A_213], %gather3A_208 {strides = array<i32>} : memref<16x768xf32, #tpu.memory_space<vmem>>, vector<16xf32>,
            %add3A_215 = arith.constant 49248 : i32
            %add3A_216 = vector.broadcast %add3A_215 : i32 to vector<16xi32>
            %add3A_217 = arith.addi %get3A_96, %add3A_216 : vector<16xi32>
            %gather3A_218 = tpu.vector_load_idx %run_scoped3A[%add3A_217] : memref<65664xf32, #tpu.memory_space<vmem>>[vector<16xi32>], vector<16xf32>,
            %mul3A_219 = arith.constant 16 : i32
            %mul3A_220 = arith.muli %scan3A_93, %mul3A_219 : i32
            %swap3A_221 = arith.constant 12 : i32
            %swap3A_222 = arith.index_cast %swap3A_221 : i32 to index
            %swap3A_223 = arith.index_cast %mul3A_220 : i32 to index
            %swap3A_224 = tpu.vector_load %run_scoped3A_10[%swap3A_222, %swap3A_223] {strides = array<i32>} : memref<16x768xf32, #tpu.memory_space<vmem>>, vector<16xf32>,
            tpu.vector_store %run_scoped3A_10[%swap3A_222, %swap3A_223], %gather3A_218 {strides = array<i32>} : memref<16x768xf32, #tpu.memory_space<vmem>>, vector<16xf32>,
            %add3A_225 = arith.constant 53352 : i32
            %add3A_226 = vector.broadcast %add3A_225 : i32 to vector<16xi32>
            %add3A_227 = arith.addi %get3A_96, %add3A_226 : vector<16xi32>
            %gather3A_228 = tpu.vector_load_idx %run_scoped3A[%add3A_227] : memref<65664xf32, #tpu.memory_space<vmem>>[vector<16xi32>], vector<16xf32>,
            %mul3A_229 = arith.constant 16 : i32
            %mul3A_230 = arith.muli %scan3A_93, %mul3A_229 : i32
            %swap3A_231 = arith.constant 13 : i32
            %swap3A_232 = arith.index_cast %swap3A_231 : i32 to index
            %swap3A_233 = arith.index_cast %mul3A_230 : i32 to index
            %swap3A_234 = tpu.vector_load %run_scoped3A_10[%swap3A_232, %swap3A_233] {strides = array<i32>} : memref<16x768xf32, #tpu.memory_space<vmem>>, vector<16xf32>,
            tpu.vector_store %run_scoped3A_10[%swap3A_232, %swap3A_233], %gather3A_228 {strides = array<i32>} : memref<16x768xf32, #tpu.memory_space<vmem>>, vector<16xf32>,
            %add3A_235 = arith.constant 57456 : i32
            %add3A_236 = vector.broadcast %add3A_235 : i32 to vector<16xi32>
            %add3A_237 = arith.addi %get3A_96, %add3A_236 : vector<16xi32>
            %gather3A_238 = tpu.vector_load_idx %run_scoped3A[%add3A_237] : memref<65664xf32, #tpu.memory_space<vmem>>[vector<16xi32>], vector<16xf32>,
            %mul3A_239 = arith.constant 16 : i32
            %mul3A_240 = arith.muli %scan3A_93, %mul3A_239 : i32
            %swap3A_241 = arith.constant 14 : i32
            %swap3A_242 = arith.index_cast %swap3A_241 : i32 to index
            %swap3A_243 = arith.index_cast %mul3A_240 : i32 to index
            %swap3A_244 = tpu.vector_load %run_scoped3A_10[%swap3A_242, %swap3A_243] {strides = array<i32>} : memref<16x768xf32, #tpu.memory_space<vmem>>, vector<16xf32>,
            tpu.vector_store %run_scoped3A_10[%swap3A_242, %swap3A_243], %gather3A_238 {strides = array<i32>} : memref<16x768xf32, #tpu.memory_space<vmem>>, vector<16xf32>,
            %add3A_245 = arith.constant 61560 : i32
            %add3A_246 = vector.broadcast %add3A_245 : i32 to vector<16xi32>
            %add3A_247 = arith.addi %get3A_96, %add3A_246 : vector<16xi32>
            %gather3A_248 = tpu.vector_load_idx %run_scoped3A[%add3A_247] : memref<65664xf32, #tpu.memory_space<vmem>>[vector<16xi32>], vector<16xf32>,
            %mul3A_249 = arith.constant 16 : i32
            %mul3A_250 = arith.muli %scan3A_93, %mul3A_249 : i32
            %swap3A_251 = arith.constant 15 : i32
            %swap3A_252 = arith.index_cast %swap3A_251 : i32 to index
            %swap3A_253 = arith.index_cast %mul3A_250 : i32 to index
            %swap3A_254 = tpu.vector_load %run_scoped3A_10[%swap3A_252, %swap3A_253] {strides = array<i32>} : memref<16x768xf32, #tpu.memory_space<vmem>>, vector<16xf32>,
            tpu.vector_store %run_scoped3A_10[%swap3A_252, %swap3A_253], %gather3A_248 {strides = array<i32>} : memref<16x768xf32, #tpu.memory_space<vmem>>, vector<16xf32>,
          }
          %scan3A_82 = arith.constant 48 : i32
          %eq3A_83 = arith.constant 0 : i32
          %eq3A_84 = arith.cmpi eq, %add3A_54, %eq3A_83 : i32
          %convert_element_type3A_85 = arith.extui %eq3A_84 : i1 to i32
          %cond3A_86 = arith.constant 0 : i32
          %cond3A_87 = arith.cmpi ne, %convert_element_type3A_85, %cond3A_86 : i32
          scf.if %cond3A_87 {
            %get3A = arith.constant 0 : i32
            %get3A_93 = arith.index_cast %get3A : i32 to index
            %get3A_94 = arith.constant 0 : index
            %get3A_95 = tpu.vector_load %run_scoped3A_10[%get3A_93, %get3A_94] {strides = array<i32>} : memref<16x768xf32, #tpu.memory_space<vmem>>, vector<16xf32>,
            %eq3A_96 = arith.constant 1 : i32
            %eq3A_97 = vector.broadcast %eq3A_96 : i32 to vector<16xi32>
            %eq3A_98 = arith.cmpi eq, %iota3A, %eq3A_97 : vector<16xi32>
            %jit3A = arith.constant 1.000000e+00 : f32
            %broadcast_in_dim3A = vector.broadcast %jit3A : f32 to vector<16xf32>
            %select_n3A = arith.select %eq3A_98, %broadcast_in_dim3A, %get3A_95 : vector<16xi1>, vector<16xf32>
            %swap3A = arith.constant 0 : i32
            %swap3A_99 = arith.index_cast %swap3A : i32 to index
            %swap3A_100 = arith.constant 0 : index
            %swap3A_101 = tpu.vector_load %run_scoped3A_10[%swap3A_99, %swap3A_100] {strides = array<i32>} : memref<16x768xf32, #tpu.memory_space<vmem>>, vector<16xf32>,
            tpu.vector_store %run_scoped3A_10[%swap3A_99, %swap3A_100], %select_n3A {strides = array<i32>} : memref<16x768xf32, #tpu.memory_space<vmem>>, vector<16xf32>,
            %get3A_102 = arith.constant 1 : i32
            %get3A_103 = arith.index_cast %get3A_102 : i32 to index
            %get3A_104 = arith.constant 0 : index
            %get3A_105 = tpu.vector_load %run_scoped3A_10[%get3A_103, %get3A_104] {strides = array<i32>} : memref<16x768xf32, #tpu.memory_space<vmem>>, vector<16xf32>,
            %eq3A_106 = arith.constant 1 : i32
            %eq3A_107 = vector.broadcast %eq3A_106 : i32 to vector<16xi32>
            %eq3A_108 = arith.cmpi eq, %iota3A, %eq3A_107 : vector<16xi32>
            %jit3A_109 = arith.constant 1.000000e+00 : f32
            %broadcast_in_dim3A_110 = vector.broadcast %jit3A_109 : f32 to vector<16xf32>
            %select_n3A_111 = arith.select %eq3A_108, %broadcast_in_dim3A_110, %get3A_105 : vector<16xi1>, vector<16xf32>
            %swap3A_112 = arith.constant 1 : i32
            %swap3A_113 = arith.index_cast %swap3A_112 : i32 to index
            %swap3A_114 = arith.constant 0 : index
            %swap3A_115 = tpu.vector_load %run_scoped3A_10[%swap3A_113, %swap3A_114] {strides = array<i32>} : memref<16x768xf32, #tpu.memory_space<vmem>>, vector<16xf32>,
            tpu.vector_store %run_scoped3A_10[%swap3A_113, %swap3A_114], %select_n3A_111 {strides = array<i32>} : memref<16x768xf32, #tpu.memory_space<vmem>>, vector<16xf32>,
            %get3A_116 = arith.constant 2 : i32
            %get3A_117 = arith.index_cast %get3A_116 : i32 to index
            %get3A_118 = arith.constant 0 : index
            %get3A_119 = tpu.vector_load %run_scoped3A_10[%get3A_117, %get3A_118] {strides = array<i32>} : memref<16x768xf32, #tpu.memory_space<vmem>>, vector<16xf32>,
            %eq3A_120 = arith.constant 1 : i32
            %eq3A_121 = vector.broadcast %eq3A_120 : i32 to vector<16xi32>
            %eq3A_122 = arith.cmpi eq, %iota3A, %eq3A_121 : vector<16xi32>
            %jit3A_123 = arith.constant 1.000000e+00 : f32
            %broadcast_in_dim3A_124 = vector.broadcast %jit3A_123 : f32 to vector<16xf32>
            %select_n3A_125 = arith.select %eq3A_122, %broadcast_in_dim3A_124, %get3A_119 : vector<16xi1>, vector<16xf32>
            %swap3A_126 = arith.constant 2 : i32
            %swap3A_127 = arith.index_cast %swap3A_126 : i32 to index
            %swap3A_128 = arith.constant 0 : index
            %swap3A_129 = tpu.vector_load %run_scoped3A_10[%swap3A_127, %swap3A_128] {strides = array<i32>} : memref<16x768xf32, #tpu.memory_space<vmem>>, vector<16xf32>,
            tpu.vector_store %run_scoped3A_10[%swap3A_127, %swap3A_128], %select_n3A_125 {strides = array<i32>} : memref<16x768xf32, #tpu.memory_space<vmem>>, vector<16xf32>,
            %get3A_130 = arith.constant 3 : i32
            %get3A_131 = arith.index_cast %get3A_130 : i32 to index
            %get3A_132 = arith.constant 0 : index
            %get3A_133 = tpu.vector_load %run_scoped3A_10[%get3A_131, %get3A_132] {strides = array<i32>} : memref<16x768xf32, #tpu.memory_space<vmem>>, vector<16xf32>,
            %eq3A_134 = arith.constant 1 : i32
            %eq3A_135 = vector.broadcast %eq3A_134 : i32 to vector<16xi32>
            %eq3A_136 = arith.cmpi eq, %iota3A, %eq3A_135 : vector<16xi32>
            %jit3A_137 = arith.constant 1.000000e+00 : f32
            %broadcast_in_dim3A_138 = vector.broadcast %jit3A_137 : f32 to vector<16xf32>
            %select_n3A_139 = arith.select %eq3A_136, %broadcast_in_dim3A_138, %get3A_133 : vector<16xi1>, vector<16xf32>
            %swap3A_140 = arith.constant 3 : i32
            %swap3A_141 = arith.index_cast %swap3A_140 : i32 to index
            %swap3A_142 = arith.constant 0 : index
            %swap3A_143 = tpu.vector_load %run_scoped3A_10[%swap3A_141, %swap3A_142] {strides = array<i32>} : memref<16x768xf32, #tpu.memory_space<vmem>>, vector<16xf32>,
            tpu.vector_store %run_scoped3A_10[%swap3A_141, %swap3A_142], %select_n3A_139 {strides = array<i32>} : memref<16x768xf32, #tpu.memory_space<vmem>>, vector<16xf32>,
            %get3A_144 = arith.constant 4 : i32
            %get3A_145 = arith.index_cast %get3A_144 : i32 to index
            %get3A_146 = arith.constant 0 : index
            %get3A_147 = tpu.vector_load %run_scoped3A_10[%get3A_145, %get3A_146] {strides = array<i32>} : memref<16x768xf32, #tpu.memory_space<vmem>>, vector<16xf32>,
            %eq3A_148 = arith.constant 1 : i32
            %eq3A_149 = vector.broadcast %eq3A_148 : i32 to vector<16xi32>
            %eq3A_150 = arith.cmpi eq, %iota3A, %eq3A_149 : vector<16xi32>
            %jit3A_151 = arith.constant 1.000000e+00 : f32
            %broadcast_in_dim3A_152 = vector.broadcast %jit3A_151 : f32 to vector<16xf32>
            %select_n3A_153 = arith.select %eq3A_150, %broadcast_in_dim3A_152, %get3A_147 : vector<16xi1>, vector<16xf32>
            %swap3A_154 = arith.constant 4 : i32
            %swap3A_155 = arith.index_cast %swap3A_154 : i32 to index
            %swap3A_156 = arith.constant 0 : index
            %swap3A_157 = tpu.vector_load %run_scoped3A_10[%swap3A_155, %swap3A_156] {strides = array<i32>} : memref<16x768xf32, #tpu.memory_space<vmem>>, vector<16xf32>,
            tpu.vector_store %run_scoped3A_10[%swap3A_155, %swap3A_156], %select_n3A_153 {strides = array<i32>} : memref<16x768xf32, #tpu.memory_space<vmem>>, vector<16xf32>,
            %get3A_158 = arith.constant 5 : i32
            %get3A_159 = arith.index_cast %get3A_158 : i32 to index
            %get3A_160 = arith.constant 0 : index
            %get3A_161 = tpu.vector_load %run_scoped3A_10[%get3A_159, %get3A_160] {strides = array<i32>} : memref<16x768xf32, #tpu.memory_space<vmem>>, vector<16xf32>,
            %eq3A_162 = arith.constant 1 : i32
            %eq3A_163 = vector.broadcast %eq3A_162 : i32 to vector<16xi32>
            %eq3A_164 = arith.cmpi eq, %iota3A, %eq3A_163 : vector<16xi32>
            %jit3A_165 = arith.constant 1.000000e+00 : f32
            %broadcast_in_dim3A_166 = vector.broadcast %jit3A_165 : f32 to vector<16xf32>
            %select_n3A_167 = arith.select %eq3A_164, %broadcast_in_dim3A_166, %get3A_161 : vector<16xi1>, vector<16xf32>
            %swap3A_168 = arith.constant 5 : i32
            %swap3A_169 = arith.index_cast %swap3A_168 : i32 to index
            %swap3A_170 = arith.constant 0 : index
            %swap3A_171 = tpu.vector_load %run_scoped3A_10[%swap3A_169, %swap3A_170] {strides = array<i32>} : memref<16x768xf32, #tpu.memory_space<vmem>>, vector<16xf32>,
            tpu.vector_store %run_scoped3A_10[%swap3A_169, %swap3A_170], %select_n3A_167 {strides = array<i32>} : memref<16x768xf32, #tpu.memory_space<vmem>>, vector<16xf32>,
            %get3A_172 = arith.constant 6 : i32
            %get3A_173 = arith.index_cast %get3A_172 : i32 to index
            %get3A_174 = arith.constant 0 : index
            %get3A_175 = tpu.vector_load %run_scoped3A_10[%get3A_173, %get3A_174] {strides = array<i32>} : memref<16x768xf32, #tpu.memory_space<vmem>>, vector<16xf32>,
            %eq3A_176 = arith.constant 1 : i32
            %eq3A_177 = vector.broadcast %eq3A_176 : i32 to vector<16xi32>
            %eq3A_178 = arith.cmpi eq, %iota3A, %eq3A_177 : vector<16xi32>
            %jit3A_179 = arith.constant 1.000000e+00 : f32
            %broadcast_in_dim3A_180 = vector.broadcast %jit3A_179 : f32 to vector<16xf32>
            %select_n3A_181 = arith.select %eq3A_178, %broadcast_in_dim3A_180, %get3A_175 : vector<16xi1>, vector<16xf32>
            %swap3A_182 = arith.constant 6 : i32
            %swap3A_183 = arith.index_cast %swap3A_182 : i32 to index
            %swap3A_184 = arith.constant 0 : index
            %swap3A_185 = tpu.vector_load %run_scoped3A_10[%swap3A_183, %swap3A_184] {strides = array<i32>} : memref<16x768xf32, #tpu.memory_space<vmem>>, vector<16xf32>,
            tpu.vector_store %run_scoped3A_10[%swap3A_183, %swap3A_184], %select_n3A_181 {strides = array<i32>} : memref<16x768xf32, #tpu.memory_space<vmem>>, vector<16xf32>,
            %get3A_186 = arith.constant 7 : i32
            %get3A_187 = arith.index_cast %get3A_186 : i32 to index
            %get3A_188 = arith.constant 0 : index
            %get3A_189 = tpu.vector_load %run_scoped3A_10[%get3A_187, %get3A_188] {strides = array<i32>} : memref<16x768xf32, #tpu.memory_space<vmem>>, vector<16xf32>,
            %eq3A_190 = arith.constant 1 : i32
            %eq3A_191 = vector.broadcast %eq3A_190 : i32 to vector<16xi32>
            %eq3A_192 = arith.cmpi eq, %iota3A, %eq3A_191 : vector<16xi32>
            %jit3A_193 = arith.constant 1.000000e+00 : f32
            %broadcast_in_dim3A_194 = vector.broadcast %jit3A_193 : f32 to vector<16xf32>
            %select_n3A_195 = arith.select %eq3A_192, %broadcast_in_dim3A_194, %get3A_189 : vector<16xi1>, vector<16xf32>
            %swap3A_196 = arith.constant 7 : i32
            %swap3A_197 = arith.index_cast %swap3A_196 : i32 to index
            %swap3A_198 = arith.constant 0 : index
            %swap3A_199 = tpu.vector_load %run_scoped3A_10[%swap3A_197, %swap3A_198] {strides = array<i32>} : memref<16x768xf32, #tpu.memory_space<vmem>>, vector<16xf32>,
            tpu.vector_store %run_scoped3A_10[%swap3A_197, %swap3A_198], %select_n3A_195 {strides = array<i32>} : memref<16x768xf32, #tpu.memory_space<vmem>>, vector<16xf32>,
            %get3A_200 = arith.constant 8 : i32
            %get3A_201 = arith.index_cast %get3A_200 : i32 to index
            %get3A_202 = arith.constant 0 : index
            %get3A_203 = tpu.vector_load %run_scoped3A_10[%get3A_201, %get3A_202] {strides = array<i32>} : memref<16x768xf32, #tpu.memory_space<vmem>>, vector<16xf32>,
            %eq3A_204 = arith.constant 1 : i32
            %eq3A_205 = vector.broadcast %eq3A_204 : i32 to vector<16xi32>
            %eq3A_206 = arith.cmpi eq, %iota3A, %eq3A_205 : vector<16xi32>
            %jit3A_207 = arith.constant 1.000000e+00 : f32
            %broadcast_in_dim3A_208 = vector.broadcast %jit3A_207 : f32 to vector<16xf32>
            %select_n3A_209 = arith.select %eq3A_206, %broadcast_in_dim3A_208, %get3A_203 : vector<16xi1>, vector<16xf32>
            %swap3A_210 = arith.constant 8 : i32
            %swap3A_211 = arith.index_cast %swap3A_210 : i32 to index
            %swap3A_212 = arith.constant 0 : index
            %swap3A_213 = tpu.vector_load %run_scoped3A_10[%swap3A_211, %swap3A_212] {strides = array<i32>} : memref<16x768xf32, #tpu.memory_space<vmem>>, vector<16xf32>,
            tpu.vector_store %run_scoped3A_10[%swap3A_211, %swap3A_212], %select_n3A_209 {strides = array<i32>} : memref<16x768xf32, #tpu.memory_space<vmem>>, vector<16xf32>,
            %get3A_214 = arith.constant 9 : i32
            %get3A_215 = arith.index_cast %get3A_214 : i32 to index
            %get3A_216 = arith.constant 0 : index
            %get3A_217 = tpu.vector_load %run_scoped3A_10[%get3A_215, %get3A_216] {strides = array<i32>} : memref<16x768xf32, #tpu.memory_space<vmem>>, vector<16xf32>,
            %eq3A_218 = arith.constant 1 : i32
            %eq3A_219 = vector.broadcast %eq3A_218 : i32 to vector<16xi32>
            %eq3A_220 = arith.cmpi eq, %iota3A, %eq3A_219 : vector<16xi32>
            %jit3A_221 = arith.constant 1.000000e+00 : f32
            %broadcast_in_dim3A_222 = vector.broadcast %jit3A_221 : f32 to vector<16xf32>
            %select_n3A_223 = arith.select %eq3A_220, %broadcast_in_dim3A_222, %get3A_217 : vector<16xi1>, vector<16xf32>
            %swap3A_224 = arith.constant 9 : i32
            %swap3A_225 = arith.index_cast %swap3A_224 : i32 to index
            %swap3A_226 = arith.constant 0 : index
            %swap3A_227 = tpu.vector_load %run_scoped3A_10[%swap3A_225, %swap3A_226] {strides = array<i32>} : memref<16x768xf32, #tpu.memory_space<vmem>>, vector<16xf32>,
            tpu.vector_store %run_scoped3A_10[%swap3A_225, %swap3A_226], %select_n3A_223 {strides = array<i32>} : memref<16x768xf32, #tpu.memory_space<vmem>>, vector<16xf32>,
            %get3A_228 = arith.constant 10 : i32
            %get3A_229 = arith.index_cast %get3A_228 : i32 to index
            %get3A_230 = arith.constant 0 : index
            %get3A_231 = tpu.vector_load %run_scoped3A_10[%get3A_229, %get3A_230] {strides = array<i32>} : memref<16x768xf32, #tpu.memory_space<vmem>>, vector<16xf32>,
            %eq3A_232 = arith.constant 1 : i32
            %eq3A_233 = vector.broadcast %eq3A_232 : i32 to vector<16xi32>
            %eq3A_234 = arith.cmpi eq, %iota3A, %eq3A_233 : vector<16xi32>
            %jit3A_235 = arith.constant 1.000000e+00 : f32
            %broadcast_in_dim3A_236 = vector.broadcast %jit3A_235 : f32 to vector<16xf32>
            %select_n3A_237 = arith.select %eq3A_234, %broadcast_in_dim3A_236, %get3A_231 : vector<16xi1>, vector<16xf32>
            %swap3A_238 = arith.constant 10 : i32
            %swap3A_239 = arith.index_cast %swap3A_238 : i32 to index
            %swap3A_240 = arith.constant 0 : index
            %swap3A_241 = tpu.vector_load %run_scoped3A_10[%swap3A_239, %swap3A_240] {strides = array<i32>} : memref<16x768xf32, #tpu.memory_space<vmem>>, vector<16xf32>,
            tpu.vector_store %run_scoped3A_10[%swap3A_239, %swap3A_240], %select_n3A_237 {strides = array<i32>} : memref<16x768xf32, #tpu.memory_space<vmem>>, vector<16xf32>,
            %get3A_242 = arith.constant 11 : i32
            %get3A_243 = arith.index_cast %get3A_242 : i32 to index
            %get3A_244 = arith.constant 0 : index
            %get3A_245 = tpu.vector_load %run_scoped3A_10[%get3A_243, %get3A_244] {strides = array<i32>} : memref<16x768xf32, #tpu.memory_space<vmem>>, vector<16xf32>,
            %eq3A_246 = arith.constant 1 : i32
            %eq3A_247 = vector.broadcast %eq3A_246 : i32 to vector<16xi32>
            %eq3A_248 = arith.cmpi eq, %iota3A, %eq3A_247 : vector<16xi32>
            %jit3A_249 = arith.constant 1.000000e+00 : f32
            %broadcast_in_dim3A_250 = vector.broadcast %jit3A_249 : f32 to vector<16xf32>
            %select_n3A_251 = arith.select %eq3A_248, %broadcast_in_dim3A_250, %get3A_245 : vector<16xi1>, vector<16xf32>
            %swap3A_252 = arith.constant 11 : i32
            %swap3A_253 = arith.index_cast %swap3A_252 : i32 to index
            %swap3A_254 = arith.constant 0 : index
            %swap3A_255 = tpu.vector_load %run_scoped3A_10[%swap3A_253, %swap3A_254] {strides = array<i32>} : memref<16x768xf32, #tpu.memory_space<vmem>>, vector<16xf32>,
            tpu.vector_store %run_scoped3A_10[%swap3A_253, %swap3A_254], %select_n3A_251 {strides = array<i32>} : memref<16x768xf32, #tpu.memory_space<vmem>>, vector<16xf32>,
            %get3A_256 = arith.constant 12 : i32
            %get3A_257 = arith.index_cast %get3A_256 : i32 to index
            %get3A_258 = arith.constant 0 : index
            %get3A_259 = tpu.vector_load %run_scoped3A_10[%get3A_257, %get3A_258] {strides = array<i32>} : memref<16x768xf32, #tpu.memory_space<vmem>>, vector<16xf32>,
            %eq3A_260 = arith.constant 1 : i32
            %eq3A_261 = vector.broadcast %eq3A_260 : i32 to vector<16xi32>
            %eq3A_262 = arith.cmpi eq, %iota3A, %eq3A_261 : vector<16xi32>
            %jit3A_263 = arith.constant 1.000000e+00 : f32
            %broadcast_in_dim3A_264 = vector.broadcast %jit3A_263 : f32 to vector<16xf32>
            %select_n3A_265 = arith.select %eq3A_262, %broadcast_in_dim3A_264, %get3A_259 : vector<16xi1>, vector<16xf32>
            %swap3A_266 = arith.constant 12 : i32
            %swap3A_267 = arith.index_cast %swap3A_266 : i32 to index
            %swap3A_268 = arith.constant 0 : index
            %swap3A_269 = tpu.vector_load %run_scoped3A_10[%swap3A_267, %swap3A_268] {strides = array<i32>} : memref<16x768xf32, #tpu.memory_space<vmem>>, vector<16xf32>,
            tpu.vector_store %run_scoped3A_10[%swap3A_267, %swap3A_268], %select_n3A_265 {strides = array<i32>} : memref<16x768xf32, #tpu.memory_space<vmem>>, vector<16xf32>,
            %get3A_270 = arith.constant 13 : i32
            %get3A_271 = arith.index_cast %get3A_270 : i32 to index
            %get3A_272 = arith.constant 0 : index
            %get3A_273 = tpu.vector_load %run_scoped3A_10[%get3A_271, %get3A_272] {strides = array<i32>} : memref<16x768xf32, #tpu.memory_space<vmem>>, vector<16xf32>,
            %eq3A_274 = arith.constant 1 : i32
            %eq3A_275 = vector.broadcast %eq3A_274 : i32 to vector<16xi32>
            %eq3A_276 = arith.cmpi eq, %iota3A, %eq3A_275 : vector<16xi32>
            %jit3A_277 = arith.constant 1.000000e+00 : f32
            %broadcast_in_dim3A_278 = vector.broadcast %jit3A_277 : f32 to vector<16xf32>
            %select_n3A_279 = arith.select %eq3A_276, %broadcast_in_dim3A_278, %get3A_273 : vector<16xi1>, vector<16xf32>
            %swap3A_280 = arith.constant 13 : i32
            %swap3A_281 = arith.index_cast %swap3A_280 : i32 to index
            %swap3A_282 = arith.constant 0 : index
            %swap3A_283 = tpu.vector_load %run_scoped3A_10[%swap3A_281, %swap3A_282] {strides = array<i32>} : memref<16x768xf32, #tpu.memory_space<vmem>>, vector<16xf32>,
            tpu.vector_store %run_scoped3A_10[%swap3A_281, %swap3A_282], %select_n3A_279 {strides = array<i32>} : memref<16x768xf32, #tpu.memory_space<vmem>>, vector<16xf32>,
            %get3A_284 = arith.constant 14 : i32
            %get3A_285 = arith.index_cast %get3A_284 : i32 to index
            %get3A_286 = arith.constant 0 : index
            %get3A_287 = tpu.vector_load %run_scoped3A_10[%get3A_285, %get3A_286] {strides = array<i32>} : memref<16x768xf32, #tpu.memory_space<vmem>>, vector<16xf32>,
            %eq3A_288 = arith.constant 1 : i32
            %eq3A_289 = vector.broadcast %eq3A_288 : i32 to vector<16xi32>
            %eq3A_290 = arith.cmpi eq, %iota3A, %eq3A_289 : vector<16xi32>
            %jit3A_291 = arith.constant 1.000000e+00 : f32
            %broadcast_in_dim3A_292 = vector.broadcast %jit3A_291 : f32 to vector<16xf32>
            %select_n3A_293 = arith.select %eq3A_290, %broadcast_in_dim3A_292, %get3A_287 : vector<16xi1>, vector<16xf32>
            %swap3A_294 = arith.constant 14 : i32
            %swap3A_295 = arith.index_cast %swap3A_294 : i32 to index
            %swap3A_296 = arith.constant 0 : index
            %swap3A_297 = tpu.vector_load %run_scoped3A_10[%swap3A_295, %swap3A_296] {strides = array<i32>} : memref<16x768xf32, #tpu.memory_space<vmem>>, vector<16xf32>,
            tpu.vector_store %run_scoped3A_10[%swap3A_295, %swap3A_296], %select_n3A_293 {strides = array<i32>} : memref<16x768xf32, #tpu.memory_space<vmem>>, vector<16xf32>,
            %get3A_298 = arith.constant 15 : i32
            %get3A_299 = arith.index_cast %get3A_298 : i32 to index
            %get3A_300 = arith.constant 0 : index
            %get3A_301 = tpu.vector_load %run_scoped3A_10[%get3A_299, %get3A_300] {strides = array<i32>} : memref<16x768xf32, #tpu.memory_space<vmem>>, vector<16xf32>,
            %eq3A_302 = arith.constant 1 : i32
            %eq3A_303 = vector.broadcast %eq3A_302 : i32 to vector<16xi32>
            %eq3A_304 = arith.cmpi eq, %iota3A, %eq3A_303 : vector<16xi32>
            %jit3A_305 = arith.constant 1.000000e+00 : f32
            %broadcast_in_dim3A_306 = vector.broadcast %jit3A_305 : f32 to vector<16xf32>
            %select_n3A_307 = arith.select %eq3A_304, %broadcast_in_dim3A_306, %get3A_301 : vector<16xi1>, vector<16xf32>
            %swap3A_308 = arith.constant 15 : i32
            %swap3A_309 = arith.index_cast %swap3A_308 : i32 to index
            %swap3A_310 = arith.constant 0 : index
            %swap3A_311 = tpu.vector_load %run_scoped3A_10[%swap3A_309, %swap3A_310] {strides = array<i32>} : memref<16x768xf32, #tpu.memory_space<vmem>>, vector<16xf32>,
            tpu.vector_store %run_scoped3A_10[%swap3A_309, %swap3A_310], %select_n3A_307 {strides = array<i32>} : memref<16x768xf32, #tpu.memory_space<vmem>>, vector<16xf32>,
          } else {
          }
          %mul3A_88 = arith.constant 768 : i32
          %mul3A_89 = arith.muli %add3A_54, %mul3A_88 : i32
          %dma_start3A = arith.constant 0 : i32
          %dma_start3A_90 = tpu.memref_slice %arg7[%dma_start3A, %mul3A_89] : memref<16x500000xf32, #tpu.memory_space<hbm>> -> memref<16x768xf32, #tpu.memory_space<hbm>>
          %dma_start3A_91 = arith.constant 0 : i32
          %dma_start3A_92 = tpu.memref_slice %arg7[%dma_start3A_91, %mul3A_89] : memref<16x500000xf32, #tpu.memory_space<hbm>> -> memref<16x768xf32, #tpu.memory_space<hbm>>
          tpu.enqueue_dma source(%run_scoped3A_10 : memref<16x768xf32, #tpu.memory_space<vmem>>) target(%dma_start3A_92 : memref<16x768xf32, #tpu.memory_space<hbm>>) target_semaphore(%arg12 : memref<!tpu.dma_semaphore, #tpu.memory_space<semaphore_mem>>)
        } else {
        }
        %eq3A_70 = arith.constant 651 : i32
        %eq3A_71 = arith.cmpi eq, %add3A_54, %eq3A_70 : i32
        %convert_element_type3A_72 = arith.extui %eq3A_71 : i1 to i32
        %cond3A_73 = arith.constant 0 : i32
        %cond3A_74 = arith.cmpi ne, %convert_element_type3A_72, %cond3A_73 : i32
        scf.if %cond3A_74 {
          "tpu.region"() ({
            %run_scoped3A_81 = tpu.sem_alloc : memref<!tpu.dma_semaphore, #tpu.memory_space<semaphore_mem>>
            %dma_start3A = arith.constant 0 : i32
            %dma_start3A_82 = tpu.memref_slice %run_scoped3A_8[%dma_start3A] : memref<768xi32, #tpu.memory_space<vmem>> -> memref<32xi32, #tpu.memory_space<vmem>>
            %dma_start3A_83 = arith.constant 499968 : i32
            %dma_start3A_84 = tpu.memref_slice %arg8[%dma_start3A_83] : memref<501760xi32, #tpu.memory_space<vmem_shared>> -> memref<32xi32, #tpu.memory_space<vmem_shared>>
            %dma_start3A_85 = arith.constant 0 : i32
            %dma_start3A_86 = tpu.memref_slice %run_scoped3A_8[%dma_start3A_85] : memref<768xi32, #tpu.memory_space<vmem>> -> memref<32xi32, #tpu.memory_space<vmem>>
            %dma_start3A_87 = arith.constant 499968 : i32
            %dma_start3A_88 = tpu.memref_slice %arg8[%dma_start3A_87] : memref<501760xi32, #tpu.memory_space<vmem_shared>> -> memref<32xi32, #tpu.memory_space<vmem_shared>>
            tpu.enqueue_dma source(%dma_start3A_88 : memref<32xi32, #tpu.memory_space<vmem_shared>>) target(%dma_start3A_86 : memref<32xi32, #tpu.memory_space<vmem>>) target_semaphore(%run_scoped3A_81 : memref<!tpu.dma_semaphore, #tpu.memory_space<semaphore_mem>>)
            %dma_wait3A = arith.constant 0 : i32
            %dma_wait3A_89 = tpu.memref_slice %run_scoped3A_8[%dma_wait3A] : memref<768xi32, #tpu.memory_space<vmem>> -> memref<32xi32, #tpu.memory_space<vmem>>
            %dma_wait3A_90 = arith.constant 499968 : i32
            %dma_wait3A_91 = tpu.memref_slice %arg8[%dma_wait3A_90] : memref<501760xi32, #tpu.memory_space<vmem_shared>> -> memref<32xi32, #tpu.memory_space<vmem_shared>>
            %dma_wait3A_92 = arith.constant 0 : i32
            %dma_wait3A_93 = tpu.memref_slice %run_scoped3A_8[%dma_wait3A_92] : memref<768xi32, #tpu.memory_space<vmem>> -> memref<32xi32, #tpu.memory_space<vmem>>
            %dma_wait3A_94 = arith.constant 499968 : i32
            %dma_wait3A_95 = tpu.memref_slice %arg8[%dma_wait3A_94] : memref<501760xi32, #tpu.memory_space<vmem_shared>> -> memref<32xi32, #tpu.memory_space<vmem_shared>>
            tpu.wait_dma2 semaphore(%run_scoped3A_81 : memref<!tpu.dma_semaphore, #tpu.memory_space<semaphore_mem>>) src(%dma_wait3A_95 : memref<32xi32, #tpu.memory_space<vmem_shared>>) dst(%dma_wait3A_93 : memref<32xi32, #tpu.memory_space<vmem>>)
            tpu.yield
          }) : () -> ()
          %scan3A_75 = arith.constant 0 : i32
          %scan3A_76 = arith.constant 0 : i32
          %scan3A_77 = arith.constant 2 : i32
          %scan3A_78 = arith.addi %scan3A_76, %scan3A_77 : i32
          %scan3A_79 = arith.constant 1 : i32
          scf.for %scan3A_81 = %scan3A_76 to %scan3A_78 step %scan3A_79  : i32 {
            %mul3A_82 = arith.constant 16 : i32
            %mul3A_83 = arith.muli %scan3A_81, %mul3A_82 : i32
            %get3A = arith.index_cast %mul3A_83 : i32 to index
            %get3A_84 = tpu.vector_load %run_scoped3A_8[%get3A] {strides = array<i32>} : memref<768xi32, #tpu.memory_space<vmem>>, vector<16xi32>,
            %add3A_85 = arith.constant 0 : i32
            %add3A_86 = vector.broadcast %add3A_85 : i32 to vector<16xi32>
            %add3A_87 = arith.addi %get3A_84, %add3A_86 : vector<16xi32>
            %gather3A = tpu.vector_load_idx %run_scoped3A[%add3A_87] : memref<65664xf32, #tpu.memory_space<vmem>>[vector<16xi32>], vector<16xf32>,
            %mul3A_88 = arith.constant 16 : i32
            %mul3A_89 = arith.muli %scan3A_81, %mul3A_88 : i32
            %swap3A = arith.constant 0 : i32
            %swap3A_90 = arith.index_cast %swap3A : i32 to index
            %swap3A_91 = arith.index_cast %mul3A_89 : i32 to index
            %swap3A_92 = tpu.vector_load %run_scoped3A_11[%swap3A_90, %swap3A_91] {strides = array<i32>} : memref<16x32xf32, #tpu.memory_space<vmem>>, vector<16xf32>,
            tpu.vector_store %run_scoped3A_11[%swap3A_90, %swap3A_91], %gather3A {strides = array<i32>} : memref<16x32xf32, #tpu.memory_space<vmem>>, vector<16xf32>,
            %add3A_93 = arith.constant 4104 : i32
            %add3A_94 = vector.broadcast %add3A_93 : i32 to vector<16xi32>
            %add3A_95 = arith.addi %get3A_84, %add3A_94 : vector<16xi32>
            %gather3A_96 = tpu.vector_load_idx %run_scoped3A[%add3A_95] : memref<65664xf32, #tpu.memory_space<vmem>>[vector<16xi32>], vector<16xf32>,
            %mul3A_97 = arith.constant 16 : i32
            %mul3A_98 = arith.muli %scan3A_81, %mul3A_97 : i32
            %swap3A_99 = arith.constant 1 : i32
            %swap3A_100 = arith.index_cast %swap3A_99 : i32 to index
            %swap3A_101 = arith.index_cast %mul3A_98 : i32 to index
            %swap3A_102 = tpu.vector_load %run_scoped3A_11[%swap3A_100, %swap3A_101] {strides = array<i32>} : memref<16x32xf32, #tpu.memory_space<vmem>>, vector<16xf32>,
            tpu.vector_store %run_scoped3A_11[%swap3A_100, %swap3A_101], %gather3A_96 {strides = array<i32>} : memref<16x32xf32, #tpu.memory_space<vmem>>, vector<16xf32>,
            %add3A_103 = arith.constant 8208 : i32
            %add3A_104 = vector.broadcast %add3A_103 : i32 to vector<16xi32>
            %add3A_105 = arith.addi %get3A_84, %add3A_104 : vector<16xi32>
            %gather3A_106 = tpu.vector_load_idx %run_scoped3A[%add3A_105] : memref<65664xf32, #tpu.memory_space<vmem>>[vector<16xi32>], vector<16xf32>,
            %mul3A_107 = arith.constant 16 : i32
            %mul3A_108 = arith.muli %scan3A_81, %mul3A_107 : i32
            %swap3A_109 = arith.constant 2 : i32
            %swap3A_110 = arith.index_cast %swap3A_109 : i32 to index
            %swap3A_111 = arith.index_cast %mul3A_108 : i32 to index
            %swap3A_112 = tpu.vector_load %run_scoped3A_11[%swap3A_110, %swap3A_111] {strides = array<i32>} : memref<16x32xf32, #tpu.memory_space<vmem>>, vector<16xf32>,
            tpu.vector_store %run_scoped3A_11[%swap3A_110, %swap3A_111], %gather3A_106 {strides = array<i32>} : memref<16x32xf32, #tpu.memory_space<vmem>>, vector<16xf32>,
            %add3A_113 = arith.constant 12312 : i32
            %add3A_114 = vector.broadcast %add3A_113 : i32 to vector<16xi32>
            %add3A_115 = arith.addi %get3A_84, %add3A_114 : vector<16xi32>
            %gather3A_116 = tpu.vector_load_idx %run_scoped3A[%add3A_115] : memref<65664xf32, #tpu.memory_space<vmem>>[vector<16xi32>], vector<16xf32>,
            %mul3A_117 = arith.constant 16 : i32
            %mul3A_118 = arith.muli %scan3A_81, %mul3A_117 : i32
            %swap3A_119 = arith.constant 3 : i32
            %swap3A_120 = arith.index_cast %swap3A_119 : i32 to index
            %swap3A_121 = arith.index_cast %mul3A_118 : i32 to index
            %swap3A_122 = tpu.vector_load %run_scoped3A_11[%swap3A_120, %swap3A_121] {strides = array<i32>} : memref<16x32xf32, #tpu.memory_space<vmem>>, vector<16xf32>,
            tpu.vector_store %run_scoped3A_11[%swap3A_120, %swap3A_121], %gather3A_116 {strides = array<i32>} : memref<16x32xf32, #tpu.memory_space<vmem>>, vector<16xf32>,
            %add3A_123 = arith.constant 16416 : i32
            %add3A_124 = vector.broadcast %add3A_123 : i32 to vector<16xi32>
            %add3A_125 = arith.addi %get3A_84, %add3A_124 : vector<16xi32>
            %gather3A_126 = tpu.vector_load_idx %run_scoped3A[%add3A_125] : memref<65664xf32, #tpu.memory_space<vmem>>[vector<16xi32>], vector<16xf32>,
            %mul3A_127 = arith.constant 16 : i32
            %mul3A_128 = arith.muli %scan3A_81, %mul3A_127 : i32
            %swap3A_129 = arith.constant 4 : i32
            %swap3A_130 = arith.index_cast %swap3A_129 : i32 to index
            %swap3A_131 = arith.index_cast %mul3A_128 : i32 to index
            %swap3A_132 = tpu.vector_load %run_scoped3A_11[%swap3A_130, %swap3A_131] {strides = array<i32>} : memref<16x32xf32, #tpu.memory_space<vmem>>, vector<16xf32>,
            tpu.vector_store %run_scoped3A_11[%swap3A_130, %swap3A_131], %gather3A_126 {strides = array<i32>} : memref<16x32xf32, #tpu.memory_space<vmem>>, vector<16xf32>,
            %add3A_133 = arith.constant 20520 : i32
            %add3A_134 = vector.broadcast %add3A_133 : i32 to vector<16xi32>
            %add3A_135 = arith.addi %get3A_84, %add3A_134 : vector<16xi32>
            %gather3A_136 = tpu.vector_load_idx %run_scoped3A[%add3A_135] : memref<65664xf32, #tpu.memory_space<vmem>>[vector<16xi32>], vector<16xf32>,
            %mul3A_137 = arith.constant 16 : i32
            %mul3A_138 = arith.muli %scan3A_81, %mul3A_137 : i32
            %swap3A_139 = arith.constant 5 : i32
            %swap3A_140 = arith.index_cast %swap3A_139 : i32 to index
            %swap3A_141 = arith.index_cast %mul3A_138 : i32 to index
            %swap3A_142 = tpu.vector_load %run_scoped3A_11[%swap3A_140, %swap3A_141] {strides = array<i32>} : memref<16x32xf32, #tpu.memory_space<vmem>>, vector<16xf32>,
            tpu.vector_store %run_scoped3A_11[%swap3A_140, %swap3A_141], %gather3A_136 {strides = array<i32>} : memref<16x32xf32, #tpu.memory_space<vmem>>, vector<16xf32>,
            %add3A_143 = arith.constant 24624 : i32
            %add3A_144 = vector.broadcast %add3A_143 : i32 to vector<16xi32>
            %add3A_145 = arith.addi %get3A_84, %add3A_144 : vector<16xi32>
            %gather3A_146 = tpu.vector_load_idx %run_scoped3A[%add3A_145] : memref<65664xf32, #tpu.memory_space<vmem>>[vector<16xi32>], vector<16xf32>,
            %mul3A_147 = arith.constant 16 : i32
            %mul3A_148 = arith.muli %scan3A_81, %mul3A_147 : i32
            %swap3A_149 = arith.constant 6 : i32
            %swap3A_150 = arith.index_cast %swap3A_149 : i32 to index
            %swap3A_151 = arith.index_cast %mul3A_148 : i32 to index
            %swap3A_152 = tpu.vector_load %run_scoped3A_11[%swap3A_150, %swap3A_151] {strides = array<i32>} : memref<16x32xf32, #tpu.memory_space<vmem>>, vector<16xf32>,
            tpu.vector_store %run_scoped3A_11[%swap3A_150, %swap3A_151], %gather3A_146 {strides = array<i32>} : memref<16x32xf32, #tpu.memory_space<vmem>>, vector<16xf32>,
            %add3A_153 = arith.constant 28728 : i32
            %add3A_154 = vector.broadcast %add3A_153 : i32 to vector<16xi32>
            %add3A_155 = arith.addi %get3A_84, %add3A_154 : vector<16xi32>
            %gather3A_156 = tpu.vector_load_idx %run_scoped3A[%add3A_155] : memref<65664xf32, #tpu.memory_space<vmem>>[vector<16xi32>], vector<16xf32>,
            %mul3A_157 = arith.constant 16 : i32
            %mul3A_158 = arith.muli %scan3A_81, %mul3A_157 : i32
            %swap3A_159 = arith.constant 7 : i32
            %swap3A_160 = arith.index_cast %swap3A_159 : i32 to index
            %swap3A_161 = arith.index_cast %mul3A_158 : i32 to index
            %swap3A_162 = tpu.vector_load %run_scoped3A_11[%swap3A_160, %swap3A_161] {strides = array<i32>} : memref<16x32xf32, #tpu.memory_space<vmem>>, vector<16xf32>,
            tpu.vector_store %run_scoped3A_11[%swap3A_160, %swap3A_161], %gather3A_156 {strides = array<i32>} : memref<16x32xf32, #tpu.memory_space<vmem>>, vector<16xf32>,
            %add3A_163 = arith.constant 32832 : i32
            %add3A_164 = vector.broadcast %add3A_163 : i32 to vector<16xi32>
            %add3A_165 = arith.addi %get3A_84, %add3A_164 : vector<16xi32>
            %gather3A_166 = tpu.vector_load_idx %run_scoped3A[%add3A_165] : memref<65664xf32, #tpu.memory_space<vmem>>[vector<16xi32>], vector<16xf32>,
            %mul3A_167 = arith.constant 16 : i32
            %mul3A_168 = arith.muli %scan3A_81, %mul3A_167 : i32
            %swap3A_169 = arith.constant 8 : i32
            %swap3A_170 = arith.index_cast %swap3A_169 : i32 to index
            %swap3A_171 = arith.index_cast %mul3A_168 : i32 to index
            %swap3A_172 = tpu.vector_load %run_scoped3A_11[%swap3A_170, %swap3A_171] {strides = array<i32>} : memref<16x32xf32, #tpu.memory_space<vmem>>, vector<16xf32>,
            tpu.vector_store %run_scoped3A_11[%swap3A_170, %swap3A_171], %gather3A_166 {strides = array<i32>} : memref<16x32xf32, #tpu.memory_space<vmem>>, vector<16xf32>,
            %add3A_173 = arith.constant 36936 : i32
            %add3A_174 = vector.broadcast %add3A_173 : i32 to vector<16xi32>
            %add3A_175 = arith.addi %get3A_84, %add3A_174 : vector<16xi32>
            %gather3A_176 = tpu.vector_load_idx %run_scoped3A[%add3A_175] : memref<65664xf32, #tpu.memory_space<vmem>>[vector<16xi32>], vector<16xf32>,
            %mul3A_177 = arith.constant 16 : i32
            %mul3A_178 = arith.muli %scan3A_81, %mul3A_177 : i32
            %swap3A_179 = arith.constant 9 : i32
            %swap3A_180 = arith.index_cast %swap3A_179 : i32 to index
            %swap3A_181 = arith.index_cast %mul3A_178 : i32 to index
            %swap3A_182 = tpu.vector_load %run_scoped3A_11[%swap3A_180, %swap3A_181] {strides = array<i32>} : memref<16x32xf32, #tpu.memory_space<vmem>>, vector<16xf32>,
            tpu.vector_store %run_scoped3A_11[%swap3A_180, %swap3A_181], %gather3A_176 {strides = array<i32>} : memref<16x32xf32, #tpu.memory_space<vmem>>, vector<16xf32>,
            %add3A_183 = arith.constant 41040 : i32
            %add3A_184 = vector.broadcast %add3A_183 : i32 to vector<16xi32>
            %add3A_185 = arith.addi %get3A_84, %add3A_184 : vector<16xi32>
            %gather3A_186 = tpu.vector_load_idx %run_scoped3A[%add3A_185] : memref<65664xf32, #tpu.memory_space<vmem>>[vector<16xi32>], vector<16xf32>,
            %mul3A_187 = arith.constant 16 : i32
            %mul3A_188 = arith.muli %scan3A_81, %mul3A_187 : i32
            %swap3A_189 = arith.constant 10 : i32
            %swap3A_190 = arith.index_cast %swap3A_189 : i32 to index
            %swap3A_191 = arith.index_cast %mul3A_188 : i32 to index
            %swap3A_192 = tpu.vector_load %run_scoped3A_11[%swap3A_190, %swap3A_191] {strides = array<i32>} : memref<16x32xf32, #tpu.memory_space<vmem>>, vector<16xf32>,
            tpu.vector_store %run_scoped3A_11[%swap3A_190, %swap3A_191], %gather3A_186 {strides = array<i32>} : memref<16x32xf32, #tpu.memory_space<vmem>>, vector<16xf32>,
            %add3A_193 = arith.constant 45144 : i32
            %add3A_194 = vector.broadcast %add3A_193 : i32 to vector<16xi32>
            %add3A_195 = arith.addi %get3A_84, %add3A_194 : vector<16xi32>
            %gather3A_196 = tpu.vector_load_idx %run_scoped3A[%add3A_195] : memref<65664xf32, #tpu.memory_space<vmem>>[vector<16xi32>], vector<16xf32>,
            %mul3A_197 = arith.constant 16 : i32
            %mul3A_198 = arith.muli %scan3A_81, %mul3A_197 : i32
            %swap3A_199 = arith.constant 11 : i32
            %swap3A_200 = arith.index_cast %swap3A_199 : i32 to index
            %swap3A_201 = arith.index_cast %mul3A_198 : i32 to index
            %swap3A_202 = tpu.vector_load %run_scoped3A_11[%swap3A_200, %swap3A_201] {strides = array<i32>} : memref<16x32xf32, #tpu.memory_space<vmem>>, vector<16xf32>,
            tpu.vector_store %run_scoped3A_11[%swap3A_200, %swap3A_201], %gather3A_196 {strides = array<i32>} : memref<16x32xf32, #tpu.memory_space<vmem>>, vector<16xf32>,
            %add3A_203 = arith.constant 49248 : i32
            %add3A_204 = vector.broadcast %add3A_203 : i32 to vector<16xi32>
            %add3A_205 = arith.addi %get3A_84, %add3A_204 : vector<16xi32>
            %gather3A_206 = tpu.vector_load_idx %run_scoped3A[%add3A_205] : memref<65664xf32, #tpu.memory_space<vmem>>[vector<16xi32>], vector<16xf32>,
            %mul3A_207 = arith.constant 16 : i32
            %mul3A_208 = arith.muli %scan3A_81, %mul3A_207 : i32
            %swap3A_209 = arith.constant 12 : i32
            %swap3A_210 = arith.index_cast %swap3A_209 : i32 to index
            %swap3A_211 = arith.index_cast %mul3A_208 : i32 to index
            %swap3A_212 = tpu.vector_load %run_scoped3A_11[%swap3A_210, %swap3A_211] {strides = array<i32>} : memref<16x32xf32, #tpu.memory_space<vmem>>, vector<16xf32>,
            tpu.vector_store %run_scoped3A_11[%swap3A_210, %swap3A_211], %gather3A_206 {strides = array<i32>} : memref<16x32xf32, #tpu.memory_space<vmem>>, vector<16xf32>,
            %add3A_213 = arith.constant 53352 : i32
            %add3A_214 = vector.broadcast %add3A_213 : i32 to vector<16xi32>
            %add3A_215 = arith.addi %get3A_84, %add3A_214 : vector<16xi32>
            %gather3A_216 = tpu.vector_load_idx %run_scoped3A[%add3A_215] : memref<65664xf32, #tpu.memory_space<vmem>>[vector<16xi32>], vector<16xf32>,
            %mul3A_217 = arith.constant 16 : i32
            %mul3A_218 = arith.muli %scan3A_81, %mul3A_217 : i32
            %swap3A_219 = arith.constant 13 : i32
            %swap3A_220 = arith.index_cast %swap3A_219 : i32 to index
            %swap3A_221 = arith.index_cast %mul3A_218 : i32 to index
            %swap3A_222 = tpu.vector_load %run_scoped3A_11[%swap3A_220, %swap3A_221] {strides = array<i32>} : memref<16x32xf32, #tpu.memory_space<vmem>>, vector<16xf32>,
            tpu.vector_store %run_scoped3A_11[%swap3A_220, %swap3A_221], %gather3A_216 {strides = array<i32>} : memref<16x32xf32, #tpu.memory_space<vmem>>, vector<16xf32>,
            %add3A_223 = arith.constant 57456 : i32
            %add3A_224 = vector.broadcast %add3A_223 : i32 to vector<16xi32>
            %add3A_225 = arith.addi %get3A_84, %add3A_224 : vector<16xi32>
            %gather3A_226 = tpu.vector_load_idx %run_scoped3A[%add3A_225] : memref<65664xf32, #tpu.memory_space<vmem>>[vector<16xi32>], vector<16xf32>,
            %mul3A_227 = arith.constant 16 : i32
            %mul3A_228 = arith.muli %scan3A_81, %mul3A_227 : i32
            %swap3A_229 = arith.constant 14 : i32
            %swap3A_230 = arith.index_cast %swap3A_229 : i32 to index
            %swap3A_231 = arith.index_cast %mul3A_228 : i32 to index
            %swap3A_232 = tpu.vector_load %run_scoped3A_11[%swap3A_230, %swap3A_231] {strides = array<i32>} : memref<16x32xf32, #tpu.memory_space<vmem>>, vector<16xf32>,
            tpu.vector_store %run_scoped3A_11[%swap3A_230, %swap3A_231], %gather3A_226 {strides = array<i32>} : memref<16x32xf32, #tpu.memory_space<vmem>>, vector<16xf32>,
            %add3A_233 = arith.constant 61560 : i32
            %add3A_234 = vector.broadcast %add3A_233 : i32 to vector<16xi32>
            %add3A_235 = arith.addi %get3A_84, %add3A_234 : vector<16xi32>
            %gather3A_236 = tpu.vector_load_idx %run_scoped3A[%add3A_235] : memref<65664xf32, #tpu.memory_space<vmem>>[vector<16xi32>], vector<16xf32>,
            %mul3A_237 = arith.constant 16 : i32
            %mul3A_238 = arith.muli %scan3A_81, %mul3A_237 : i32
            %swap3A_239 = arith.constant 15 : i32
            %swap3A_240 = arith.index_cast %swap3A_239 : i32 to index
            %swap3A_241 = arith.index_cast %mul3A_238 : i32 to index
            %swap3A_242 = tpu.vector_load %run_scoped3A_11[%swap3A_240, %swap3A_241] {strides = array<i32>} : memref<16x32xf32, #tpu.memory_space<vmem>>, vector<16xf32>,
            tpu.vector_store %run_scoped3A_11[%swap3A_240, %swap3A_241], %gather3A_236 {strides = array<i32>} : memref<16x32xf32, #tpu.memory_space<vmem>>, vector<16xf32>,
          }
          %scan3A_80 = arith.constant 2 : i32
          "tpu.region"() ({
            %run_scoped3A_81 = tpu.sem_alloc : memref<!tpu.dma_semaphore, #tpu.memory_space<semaphore_mem>>
            %dma_start3A = arith.constant 0 : i32
            %dma_start3A_82 = arith.constant 499968 : i32
            %dma_start3A_83 = tpu.memref_slice %arg7[%dma_start3A, %dma_start3A_82] : memref<16x500000xf32, #tpu.memory_space<hbm>> -> memref<16x32xf32, #tpu.memory_space<hbm>>
            %dma_start3A_84 = arith.constant 0 : i32
            %dma_start3A_85 = arith.constant 499968 : i32
            %dma_start3A_86 = tpu.memref_slice %arg7[%dma_start3A_84, %dma_start3A_85] : memref<16x500000xf32, #tpu.memory_space<hbm>> -> memref<16x32xf32, #tpu.memory_space<hbm>>
            tpu.enqueue_dma source(%run_scoped3A_11 : memref<16x32xf32, #tpu.memory_space<vmem>>) target(%dma_start3A_86 : memref<16x32xf32, #tpu.memory_space<hbm>>) target_semaphore(%run_scoped3A_81 : memref<!tpu.dma_semaphore, #tpu.memory_space<semaphore_mem>>)
            %dma_wait3A = arith.constant 0 : i32
            %dma_wait3A_87 = arith.constant 499968 : i32
            %dma_wait3A_88 = tpu.memref_slice %arg7[%dma_wait3A, %dma_wait3A_87] : memref<16x500000xf32, #tpu.memory_space<hbm>> -> memref<16x32xf32, #tpu.memory_space<hbm>>
            %dma_wait3A_89 = arith.constant 0 : i32
            %dma_wait3A_90 = arith.constant 499968 : i32
            %dma_wait3A_91 = tpu.memref_slice %arg7[%dma_wait3A_89, %dma_wait3A_90] : memref<16x500000xf32, #tpu.memory_space<hbm>> -> memref<16x32xf32, #tpu.memory_space<hbm>>
            tpu.wait_dma2 semaphore(%run_scoped3A_81 : memref<!tpu.dma_semaphore, #tpu.memory_space<semaphore_mem>>) src(%run_scoped3A_11 : memref<16x32xf32, #tpu.memory_space<vmem>>) dst(%dma_wait3A_91 : memref<16x32xf32, #tpu.memory_space<hbm>>)
            tpu.yield
          }) : () -> ()
        } else {
        }
      }
      %scan3A_16 = arith.constant 11 : i32
      %add3A_17 = arith.constant 640 : i32
      %add3A_18 = arith.addi %add3A, %add3A_17 : i32
      %lt3A = arith.constant 651 : i32
      %lt3A_19 = arith.cmpi slt, %add3A_18, %lt3A : i32
      %convert_element_type3A_20 = arith.extui %lt3A_19 : i1 to i32
      %cond3A_21 = arith.constant 0 : i32
      %cond3A_22 = arith.cmpi ne, %convert_element_type3A_20, %cond3A_21 : i32
      scf.if %cond3A_22 {
        %dma_wait3A = arith.constant 0 : i32
        %dma_wait3A_23 = arith.constant 0 : i32
        %dma_wait3A_24 = tpu.memref_slice %arg7[%dma_wait3A, %dma_wait3A_23] : memref<16x500000xf32, #tpu.memory_space<hbm>> -> memref<16x768xf32, #tpu.memory_space<hbm>>
        %dma_wait3A_25 = arith.constant 0 : i32
        %dma_wait3A_26 = arith.constant 0 : i32
        %dma_wait3A_27 = tpu.memref_slice %arg7[%dma_wait3A_25, %dma_wait3A_26] : memref<16x500000xf32, #tpu.memory_space<hbm>> -> memref<16x768xf32, #tpu.memory_space<hbm>>
        tpu.wait_dma2 semaphore(%arg11 : memref<!tpu.dma_semaphore, #tpu.memory_space<semaphore_mem>>) src(%run_scoped3A_9 : memref<16x768xf32, #tpu.memory_space<vmem>>) dst(%dma_wait3A_27 : memref<16x768xf32, #tpu.memory_space<hbm>>)
      } else {
      }
      tpu.yield
    }) : () -> ()
    return
  }
}

module attributes {stable_mosaic.version = 14 : i64} {
  func.func @body(%arg0: memref<16x128x64xf32, #tpu.memory_space<vmem>>, %arg1: memref<32x64xf32, #tpu.memory_space<vmem>>, %arg2: memref<2048x32xf32, #tpu.memory_space<vmem>>) attributes {dimension_semantics = [], scalar_prefetch = 0 : i64, scratch_operands = 0 : i64, tpu.core_type = #tpu.core_type<tc>} {
    %get3A = arith.constant 0 : index
    %get3A_0 = arith.constant 0 : index
    %get3A_1 = arith.constant 0 : index
    %get3A_2 = vector.load %arg0[%get3A, %get3A_0, %get3A_1] : memref<16x128x64xf32, #tpu.memory_space<vmem>>, vector<16x128x64xf32>
    %reshape3A = vector.shape_cast %get3A_2 : vector<16x128x64xf32> to vector<2048x64xf32>
    %get3A_3 = arith.constant 0 : index
    %get3A_4 = arith.constant 0 : index
    %get3A_5 = vector.load %arg1[%get3A_3, %get3A_4] : memref<32x64xf32, #tpu.memory_space<vmem>>, vector<32x64xf32>
    %dot_general3A = arith.constant dense<0.000000e+00> : vector<2048x32xf32>
    %dot_general3A_6 = tpu.matmul %reshape3A, %get3A_5, %dot_general3A {dimension_numbers = #tpu.dot_dimension_numbers<[1], [1], [0], [0], [0, 0, 1, 0], [], []>, transpose_lhs_hint = false} : vector<2048x64xf32>, vector<32x64xf32>, vector<2048x32xf32> -> vector<2048x32xf32>
    %logistic3A = arith.negf %dot_general3A_6 : vector<2048x32xf32>
    %logistic3A_7 = math.exp %logistic3A : vector<2048x32xf32>
    %logistic3A_8 = arith.constant 1.000000e+00 : f32
    %logistic3A_9 = vector.broadcast %logistic3A_8 : f32 to vector<2048x32xf32>
    %logistic3A_10 = arith.addf %logistic3A_9, %logistic3A_7 : vector<2048x32xf32>
    %logistic3A_11 = arith.divf %logistic3A_9, %logistic3A_10 : vector<2048x32xf32>
    %swap3A = arith.constant 0 : index
    %swap3A_12 = arith.constant 0 : index
    %swap3A_13 = vector.load %arg2[%swap3A, %swap3A_12] : memref<2048x32xf32, #tpu.memory_space<vmem>>, vector<2048x32xf32>
    tpu.vector_store %arg2[%swap3A, %swap3A_12], %logistic3A_11 {strides = array<i32>} : memref<2048x32xf32, #tpu.memory_space<vmem>>, vector<2048x32xf32>,
    return
  }
}

</mosaic_0001>

<sc_bundles>
// kernel: kernel.4.cloned.1.call-start
scs
__scs_entry_jumppad:
0x0: {  	(pc) =	sbr.rel $0x88, $3  }
0x1: {  	(tag) =	ssettag $0x0;
	lr =	simm.s32 $0x1  }
0x2: {  	[smem:$0x3F9B] =	sst lr;
	_ =	strace $0xD0000000  }
0x3: {  	_ = 	snop  }
0x4: {  	_ = 	snop  }
0x5: {  	_ = 	snop  }
0x6: {  	_ = 	snop  }
0x7: {  	_ = 	snop  }
__scs_overlays_trampoline_lowered:
0x8: {  	[smem:$0x3FAA] =	sst s0  }
0x9: {  	[smem:$0x3FAB] =	sst s1  }
0xa: {  	[smem:$0x3FAC] =	sst s2  }
0xb: {  	[smem:$0x3FAD] =	sst s3  }
0xc: {  	[smem:$0x3FAE] =	sst s4  }
0xd: {  	[smem:$0x3FAF] =	sst s5  }
0xe: {  	[smem:$0x3FB0] =	sst s6  }
0xf: {  	[smem:$0x3FB1] =	sst s7  }
0x10: {  	[smem:$0x3FB2] =	sst s8  }
0x11: {  	[smem:$0x3FB3] =	sst s9;
	s0 =	simm.s32 @!p0 $0x0  }
0x12: {  	s1 =	sld [smem:$0x3F99];
	s0 =	simm.s32 @p0 $0x1  }
0x13: {  	[smem:$0x3FB4] =	sst s0;
	s0 =	simm.s32 @!p1 $0x0  }
0x14: {  	s2 =	sld [smem:$0x3F98];
	s0 =	simm.s32 @p1 $0x1  }
0x15: {  	[smem:$0x3FB5] =	sst s0;
	s0 =	simm.s32 @!p2 $0x0  }
0x16: {  	s3 =	sld [smem:$0x3FDB];
	s0 =	simm.s32 @p2 $0x1  }
0x17: {  	s4 =	simm.s32 $0x1BF5;
	[smem:$0x3FB7] =	sst s0  }
0x18: {  	s0 =	sld [smem:$0x3F9A];
	_ =	swait.ge [sflag:s4], $0x0  }
0x19: {  	s7 =	sld [smem:$0x3F9B]  }
0x1a: {  	s8 =	sadd.s32 $0xFFFFE003, lr  }
0x1b: {  	s9 =	sadd.s32 $0xFFFFFEF7, lr;
	s5 =	simm.s32 $0xFFFFFFFF;
	p2 =	slt.u32 s8, $0xFFFFF086  }
0x1c: {  	p1 =	slt.u32 s9, $0xF7A;
	s5 =	simm.s32 @!p2 $0x0  }
0x1d: {  	s5 =	simm.s32 @p1 $0x1;
	p0 =	seq.s32 s7, s2  }
0x1e: {  	s7 =	smul.u32 @!p0 $0xF7A, s2;
	p2 =	seq.s32 @!p0 s5, $0x0  }
0x1f: {  	s9 =	smul.u32 $0xF7A, s1;
	s8 =	simm.s32 @!p0 $0x1BF5;
	p2 =	por !p2, p0  }
0x20: {  	[sflag:s8] =	ssyncset.s32 @!p0 $0xFFFFF086;
	s6 =	sadd.s32 @!p0 s3, s7;
	s7 =	simm.s32 @!p0 $0x108  }
0x21: {  	s3 =	sadd.s32 s3, s9;
	s6 =	sadd.s32 @!p0 $0x88, s6;
	s7 =	simm.s32 @p2 $0x1082  }
0x22: {  	[simem:s7], [sflag:s8] =	dma.local @!p0 [hbm:s6], $0xF7A  }
0x23: {  	s9 =	sor.u32 $0xD0000000, s2;
	s6 =	simm.s32 $0x108;
	_ =	swait.ge @!p0 [sflag:s8], $0x0  }
0x24: {  	s3 =	sadd.s32 $0x88, s3;
	s6 =	simm.s32 @!p1 $0x1082;
	[sflag:s4] =	ssyncset.s32 $0xFFFFF086  }
0x25: {  	[simem:s6], [sflag:s4] =	dma.local [hbm:s3], $0xF7A  }
0x26: {  	[smem:$0x3F9B] =	sst s1;
	(tag) =	ssettag s2;
	_ =	strace s9  }
0x27: {  	s1 =	sld [smem:$0x3FAB]  }
0x28: {  	s2 =	sld [smem:$0x3FAC]  }
0x29: {  	s4 =	sld [smem:$0x3FAE]  }
0x2a: {  	p0 =	seq.s32 s5, $0x0;
	s5 =	sld [smem:$0x3FAF]  }
0x2b: {  	s6 =	sld [smem:$0x3FB0]  }
0x2c: {  	s7 =	sld [smem:$0x3FB1]  }
0x2d: {  	s3 =	simm.s32 $0x108;
	s8 =	sld [smem:$0x3FB2]  }
0x2e: {  	s3 =	simm.s32 @!p0 $0x1082;
	s9 =	sld [smem:$0x3FB3]  }
0x2f: {  	lr =	sadd.s32 s0, s3;
	s0 =	sld [smem:$0x3FAA]  }
0x30: {  	s3 =	sld [smem:$0x3FAD]  }
0x31: {  	[smem:$0x3FB6] =	sst s10  }
0x32: {  	s10 =	sld [smem:$0x3FB4];
	_ =	sdelay $0x3  }
0x33: {  	p0 =	seq.s32 s10, $0x1;
	s10 =	sld [smem:$0x3FB6];
	_ =	sdelay $0x3  }
0x34: {  	[smem:$0x3FB6] =	sst s10  }
0x35: {  	s10 =	sld [smem:$0x3FB5];
	_ =	sdelay $0x3  }
0x36: {  	p1 =	seq.s32 s10, $0x1;
	s10 =	sld [smem:$0x3FB6];
	_ =	sdelay $0x3  }
0x37: {  	[smem:$0x3FB6] =	sst s10  }
0x38: {  	s10 =	sld [smem:$0x3FB7]  }
0x39: {  	_ = 	snop;
	(pc) =	sbr.ind lr, $3  }
0x3a: {  	_ = 	snop  }
0x3b: {  	_ = 	snop  }
0x3c: {  	p2 =	seq.s32 s10, $0x1;
	s10 =	sld [smem:$0x3FB6]  }
0x3d: {  	_ =	shalt  }
0x3e: {  	_ =	shalt  }
0x3f: {  	_ =	shalt  }
0x40: {  	_ =	shalt  }
0x41: {  	_ =	shalt  }
0x42: {  	_ =	shalt  }
0x43: {  	_ =	shalt  }
0x44: {  	_ =	shalt  }
0x45: {  	_ =	shalt  }
0x46: {  	_ =	shalt  }
0x47: {  	_ =	shalt  }
0x48: {  	_ =	shalt  }
0x49: {  	_ =	shalt  }
0x4a: {  	_ =	shalt  }
0x4b: {  	_ =	shalt  }
0x4c: {  	_ =	shalt  }
0x4d: {  	_ =	shalt  }
0x4e: {  	_ =	shalt  }
0x4f: {  	_ =	shalt  }
0x50: {  	_ =	shalt  }
0x51: {  	_ =	shalt  }
0x52: {  	_ =	shalt  }
0x53: {  	_ =	shalt  }
0x54: {  	_ =	shalt  }
0x55: {  	_ =	shalt  }
0x56: {  	_ =	shalt  }
0x57: {  	_ =	shalt  }
0x58: {  	_ =	shalt  }
0x59: {  	_ =	shalt  }
0x5a: {  	_ =	shalt  }
0x5b: {  	_ =	shalt  }
0x5c: {  	_ =	shalt  }
0x5d: {  	_ =	shalt  }
0x5e: {  	_ =	shalt  }
0x5f: {  	_ =	shalt  }
0x60: {  	_ =	shalt  }
0x61: {  	_ =	shalt  }
0x62: {  	_ =	shalt  }
0x63: {  	_ =	shalt  }
0x64: {  	_ =	shalt  }
0x65: {  	_ =	shalt  }
0x66: {  	_ =	shalt  }
0x67: {  	_ =	shalt  }
0x68: {  	_ =	shalt  }
0x69: {  	_ =	shalt  }
0x6a: {  	_ =	shalt  }
0x6b: {  	_ =	shalt  }
0x6c: {  	_ =	shalt  }
0x6d: {  	_ =	shalt  }
0x6e: {  	_ =	shalt  }
0x6f: {  	_ =	shalt  }
0x70: {  	_ =	shalt  }
0x71: {  	_ =	shalt  }
0x72: {  	_ =	shalt  }
0x73: {  	_ =	shalt  }
0x74: {  	_ =	shalt  }
0x75: {  	_ =	shalt  }
0x76: {  	_ =	shalt  }
0x77: {  	_ =	shalt  }
0x78: {  	_ =	shalt  }
0x79: {  	_ =	shalt  }
0x7a: {  	_ =	shalt  }
0x7b: {  	_ =	shalt  }
0x7c: {  	_ =	shalt  }
0x7d: {  	_ =	shalt  }
0x7e: {  	_ =	shalt  }
0x7f: {  	_ =	shalt  }
0x80: {  	_ =	shalt  }
0x81: {  	_ =	shalt  }
0x82: {  	_ =	shalt  }
0x83: {  	_ =	shalt  }
0x84: {  	_ =	shalt  }
0x85: {  	_ =	shalt  }
0x86: {  	_ =	shalt  }
0x87: {  	_ =	shalt  }
.Lfunc_end0:
.L_simem_size_0:
called_computation_lowered:
.L_overlay_start_0:
0x88: {  	s2 =	sld [smem:$0x3FD9]  }
0x89: {  	s3 =	sld [smem:$0x3FFE];
	_ =	sdelay $0x1  }
0x8a: {  	s1 =	srdreg.scid  }
0x8b: {  	s0 =	sand.u32 $0x1, s1  }
0x8c: {  	s17 =	sshll.u32 s0, $0xA;
	s2 =	sadd.s32 s3, s2  }
0x8d: {  	s2 =	sadd.s32 s2, s17  }
0x8e: {  	[smem:$0x3FC2] =	sst s2  }
0x8f: {  	_ = 	snop  }
0x90: {  	s2 =	sld [smem:$0x3FC7]  }
0x91: {  	s18 =	sld [smem:$0x3FC6]  }
0x92: {  	s4 =	sld [smem:$0x3FC5]  }
0x93: {  	s5 =	sld [smem:$0x3FC4]  }
0x94: {  	s6 =	sld [smem:$0x3FD0];
	(tm) =	ssettm $0x1  }
0x95: {  	s7 =	sld [smem:$0x3FFB];
	_ =	sdelay $0x3  }
0x96: {  	_ =	strace s7  }
0x97: {  	s7 =	sld [smem:$0x3FFC];
	_ =	sdelay $0x3  }
0x98: {  	_ =	strace s7  }
0x99: {  	s7 =	sld [smem:$0x3FFD];
	_ =	sdelay $0x3  }
0x9a: {  	_ =	strace s7  }
0x9b: {  	_ =	strace $0x8FFFFFFF  }
0x9c: {  	s19 =	sld [smem:$0x3FDB];
	_ =	sdelay $0x1  }
0x9d: {  	s8 =	simm.s32 $_scs_section_size  }
0x9e: {  	s9 =	simm.s32 $_size__tile_overlayer_lowered;
	s10 =	simm.s32 $_tile_overlayer_lowered  }
0x9f: {  	s22 =	simm.s32 $0x1BFF;
	s21 =	sshll.u32 s10, $0x1;
	s7 =	sadd.s32 s8, s19  }
0xa0: {  	s11 =	simm.s32 $0x0;
	s20 =	sshll.u32 s9, $0x1;
	s9 =	sadd.s32 s21, s7  }
0xa1: {  	[timem:s11], [sflag:s22] =	dma.local [hbm:s9], s20  }
0xa2: {  	_ =	swait.ge [sflag:s22], s20  }
0xa3: {  	s8 =	ssub.s32 $0x0, s20;
	[sflag:s22] =	ssyncset.done $0x0  }
0xa4: {  	[sflag:s22] =	ssyncadd.s32 s8;
	_ =	sdelay $0x1  }
0xa5: {  	s23 =	simm.s32 $0x1B8B  }
0xa6: {  	_ =	swait.ge [sflag:s23], $0x1  }
0xa7: {  	[sflag:s23] =	ssyncset.done $0x0  }
0xa8: {  	s25 =	simm.s32 $0x1B8E;
	s24 =	sld [smem:$0x3FFE];
	[sflag:s23] =	ssyncadd.s32 $0xFFFFFFFF  }
0xa9: {  	s26 =	simm.s32 $execute0_lowered;
	[smem:$0x3FD2] =	sst s25  }
0xaa: {  	s9 =	sshll.u32 s26, $0x1;
	_ =	strace $0x80000046;
	[dreg:$0x1] =	wrdreg $0xFFFFFFFF  }
0xab: {  	s28 =	simm.s32 $_size_execute0_lowered;
	s7 =	sadd.s32 s7, s9;
	[dreg:$0x0] =	wrdreg $0x0  }
0xac: {  	s9 =	sshll.u32 s28, $0x1;
	[dreg:$0x2] =	wrdreg s7  }
0xad: {  	[dreg:$0x3] =	wrdreg s9  }
0xae: {  	[dreg:$0x4] =	wrdreg $0xC0  }
0xaf: {  	_ =	task [dreg:s11], $0x5FFFF  }
0xb0: {  	[dreg:$0x1] =	wrdreg $0xFFFFFFFF  }
0xb1: {  	[dreg:$0x0] =	wrdreg $0x60  }
0xb2: {  	[dreg:$0x2] =	wrdreg s24  }
0xb3: {  	[dreg:$0x3] =	wrdreg s2  }
0xb4: {  	[dreg:$0x4] =	wrdreg s18  }
0xb5: {  	[dreg:$0x5] =	wrdreg s4  }
0xb6: {  	[dreg:$0x6] =	wrdreg s5  }
0xb7: {  	[dreg:$0x7] =	wrdreg s6  }
0xb8: {  	[dreg:$0x8] =	wrdreg $0x7A800  }
0xb9: {  	[dreg:$0x9] =	wrdreg $0x0  }
0xba: {  	[dreg:$0xa] =	wrdreg $0x9  }
0xbb: {  	_ =	task.clear_ibuf [dreg:s11], $0xBFFFF;
	_ =	strace $0x90000046  }
0xbc: {  	s29 =	simm.s32 $0x9;
	_ =	strace $0x80000048  }
0xbd: {  	_ =	swait.ge [sflag:s29], $0x1  }
0xbe: {  	[sflag:s29] =	ssyncadd.s32 $0xFFFFFFFF  }
0xbf: {  	_ =	strace $0x90000048  }
0xc0: {  	_ =	sfence  }
0xc1: {  	s30 =	sld [smem:$0x0];
	_ =	sdelay $0x2  }
0xc2: {  	s31 =	sshll.u32 s1, $0xD;
	s1 =	sshrl.u32 s1, $0x2  }
0xc3: {  	s3 =	sand.u32 $0x4000, s31;
	s1 =	sadd.s32 s1, s30  }
0xc4: {  	s0 =	sor.u32 s3, s0;
	s1 =	sshll.u32 s1, $0x11  }
0xc5: {  	s0 =	sor.u32 s1, s0  }
0xc6: {  	s0 =	sadd.s32 $0x8F2B, s0  }
0xc7: {  	[sflag:s0] =	ssyncadd.remote.s32 $0x1  }
0xc8: {  	_ =	sfence.sel $0xFFFF  }
0xc9: {  	[dreg:$0x0] =	wrdreg $0xFFFFFFFF;
	(pc) =	sbr.abs _section_cstart, $3  }
0xca: {  	[dreg:$0x1] =	wrdreg $0xFFFFFFFF  }
0xcb: {  	_ =	task.clear_ibuf [dreg:s11], $0x2FFFF;
	_ =	strace $0x9FFFFFFF  }
0xcc: {  	(tm) =	ssettm $0x7FFFFFFF  }
0xcd: {  	_ =	shalt  }
tec
execute0_lowered:
.L_overlay_start_1:
0x0: {  	(tag) =	ssettag $0x1  }
0x1: {  	s0 =	rddreg [dreg:$0x0]  }
0x2: {  	s2 =	rddreg [dreg:$0x1]  }
0x3: {  	s6 =	rddreg [dreg:$0x2]  }
0x4: {  	s8 =	rddreg [dreg:$0x3]  }
0x5: {  	s9 =	rddreg [dreg:$0x4]  }
0x6: {  	s1 =	rddreg [dreg:$0x5]  }
0x7: {  	s13 =	rddreg [dreg:$0x6]  }
0x8: {  	s3 =	rddreg [dreg:$0x7]  }
0x9: {  	s7 =	srdreg.scid;
	s4 =	simm.s32 $0x0;
	s5 =	stileid.u32  }
0xa: {  	s31 =	simm.s32 $0x2;
	s29 =	simm.s32 $0x6;
	s30 =	simm.s32 $0x1800  }
0xb: {  	s7 =	sand.u32 $0x1, s7;
	[smem:$0x7FF] =	sst s4;
	s11 =	smul.u32 $0x3100, s5  }
0xc: {  	s0 =	sadd.s32 $0x600, s0;
	s20 =	sshll.u32 s5, $0x1;
	s22 =	smul.u32 $0xC40, s5  }
0xd: {  	s15 =	sadd.s32 $0x7A100, s3;
	s16 =	sadd.s32 $0x7A100, s1;
	s28 =	sshll.u32 s5, $0xB  }
0xe: {  	p0 =	sne.s32 s5, $0x0;
	s10 =	ssub.s32 $0x2, s7;
	_ =	strace $0x80000047  }
0xf: {  	[dreg:$0x9] =	wrdreg s0;
	s7 =	sor.u32 s7, s20;
	s18 =	sadd.s32 s28, s3  }
0x10: {  	s20 =	simm.s32 $0x8A88;
	s19 =	sshrl.u32 s10, $0x1;
	s11 =	smin.u32 s11, $0x2DC40  }
0x11: {  	s25 =	smin.u32 s22, $0xB710;
	p1 =	sgt.u32 s7, $0xA;
	s22 =	simm.s32 $0x1EE08  }
0x12: {  	s0 =	ssub.s32 s10, s19;
	s21 =	sshrl.u32 s11, $0x3;
	s19 =	sshrl.u32 @!p0 s13, $0x3  }
0x13: {  	s11 =	simm.s32 $0x400;
	s12 =	sadd.s32 s2, s21;
	s23 =	sadd.s32 s6, s21  }
0x14: {  	s24 =	sadd.s32 $0x310, s21;
	s10 =	sadd.s32 s8, s21;
	[dreg:$0xa] =	wrdreg s12  }
0x15: {  	s0 =	smax.u32 s0, $0x1;
	s21 =	simm.s32 $0x5;
	[dreg:$0xb] =	wrdreg s23  }
0x16: {  	[dreg:$0xc] =	wrdreg s10;
	s2 =	sadd.s32 s2, s24;
	s6 =	sadd.s32 s6, s24  }
.Ltmp0:
0x17: {  	s26 =	sadd.s32 s8, s24;
	[dreg:$0x11] =	wrdreg s0;
	(pc) =	sbr.rel .LBB2_1-.Ltmp0, $4  }
0x18: {  	s0 =	simm.s32 $0x3;
	s8 =	simm.s32 $0x18E08;
	[dreg:$0xd] =	wrdreg s2  }
0x19: {  	s10 =	simm.s32 $0x18B08;
	[dreg:$0xe] =	wrdreg s6;
	s2 =	sshrl.u32 s25, $0x3  }
0x1a: {  	[dreg:$0xf] =	wrdreg s26;
	s6 =	simm.s32 $0x3D0C00;
	s2 =	sadd.s32 s9, s2  }
0x1b: {  	v0 =	vimm.s32 $0x1001;
	v1 =	vimm.s32 $0x1000;
	s9 =	simm.s32 $0x1BE08;
	[dreg:$0x10] =	wrdreg s2;
	s2 =	simm.s32 $0x4  }
.LBB2_23:
0x1c: {  	s12 =	simm.s32 @!p1 $0x2  }
0x1d: {  	_ =	swait.ge @!p1 [sflag:s12], $0x3000  }
0x1e: {  	s4 =	sadd.s32 $0x1, s4;
	s13 =	rddreg [dreg:$0x11]  }
0x1f: {  	p2 =	sne.s32 s4, s13  }
.Ltmp1:
0x20: {  	_ = 	snop;
	(pc) =	sbr.rel @!p2 .LBB2_24-.Ltmp1, $3  }
0x21: {  	_ =	sdelay $0x1  }
0x22: {  	[sflag:s12] =	ssyncset.done @!p1 $0x0  }
0x23: {  	[sflag:s12] =	ssyncadd.s32 @!p1 $0xFFFFD000  }
.LBB2_1:
0x24: {  	s12 =	simm.s32 @!p0 $0x1C01;
	s13 =	rddreg [dreg:$0x9]  }
0x25: {  	[spmem:s19], [sflag:s12] =	dma.local @!p0 [hbm:s13], $0x2010  }
0x26: {  	s12 =	simm.s32 $0x40;
	s13 =	simm.s32 $0x0  }
.LBB2_2:
0x27: {  	p2 =	seq.s32 s12, $0x1FC0;
	[tilespmem:s13+$0x8A88] =	vst v0;
	s13 =	smov.u32 s12;
	s12 =	sadd.s32 $0x40, s12  }
.Ltmp2:
0x28: {  	(pc) =	sbr.rel @!p2 .LBB2_2-.Ltmp2, $2  }
0x29: {  	_ =	sdelay $0x2  }
0x2a: {  	s13 =	sshra.s32 s13, $0x2  }
0x2b: {  	s12 =	sadd.s32 $0x0, s5  }
0x2c: {  	p2 =	sgt.u32 s12, $0xF4  }
0x2d: {  	[tilespmem:s13+$0x8A88] =	vst v0;
	s12 =	simm.s32 @!p2 $0x8A88;
	s23 =	simm.s32 @!p2 $0x5  }
0x2e: {  	[spmem:s18] =	stream.linear.scatter @!p2 [tilespmem:s12], [sflag:$0x5], $0x800, $0x38;
	[tilespmem:$0x1F608] =	vst v63  }
0x2f: {  	s13 =	simm.s32 $0x10;
	_ =	swait.ge @!p2 [sflag:s23], $0x800  }
0x30: {  	s14 =	simm.s32 $0x20;
	s12 =	sadd.s32 $0x8000, s18;
	[sflag:s23] =	ssyncset.done @!p2 $0x0  }
.LBB2_4:
0x31: {  	s24 =	sadd.s32 s13, s5;
	s13 =	smov.u32 s14;
	s14 =	sadd.s32 $0x10, s14  }
0x32: {  	[sflag:s23] =	ssyncadd.s32 @!p2 $0xFFFFF800;
	p3 =	sne.s32 s14, $0x100  }
.Ltmp3:
0x33: {  	p2 =	sgt.u32 s24, $0xF4;
	(pc) =	sbr.rel @p3 .LBB2_4-.Ltmp3, $4  }
0x34: {  	s24 =	simm.s32 @!p2 $0x8A88;
	s23 =	simm.s32 @!p2 $0x5  }
0x35: {  	[spmem:s12] =	stream.linear.scatter @!p2 [tilespmem:s24], [sflag:$0x5], $0x800, $0x38;
	[tilespmem:$0x1F608] =	vst v63  }
0x36: {  	_ =	swait.ge @!p2 [sflag:s23], $0x800  }
0x37: {  	s12 =	sadd.s32 $0x8000, s12;
	[sflag:s23] =	ssyncset.done @!p2 $0x0  }
0x38: {  	s13 =	sadd.s32 s13, s5  }
0x39: {  	p3 =	sgt.u32 s13, $0xF4  }
0x3a: {  	[sflag:s23] =	ssyncadd.s32 @!p2 $0xFFFFF800;
	s13 =	simm.s32 @!p3 $0x8A88;
	s14 =	simm.s32 @!p3 $0x5  }
0x3b: {  	[spmem:s12] =	stream.linear.scatter @!p3 [tilespmem:s13], [sflag:$0x5], $0x800, $0x38;
	[tilespmem:$0x1F608] =	vst v63  }
0x3c: {  	_ =	swait.ge @!p3 [sflag:s14], $0x800  }
0x3d: {  	[sflag:s14] =	ssyncset.done @!p3 $0x0  }
0x3e: {  	[sflag:s14] =	ssyncadd.s32 @!p3 $0xFFFFF800  }
0x3f: {  	[bflag:$0x0] =	sbarrier.arrive $0xFFFF  }
0x40: {  	s17 =	simm.s32 $0x0;
	s23 =	rddreg [dreg:$0xa]  }
0x41: {  	[tilespmem:s20], [sflag:$0x5] =	stream.linear.gather [hbm4b:s23+s17], $0x1880, $0x38;
	[tilespmem:$0x1F608] =	vst v63  }
0x42: {  	_ =	swait.ge [sflag:s21], $0x1880  }
0x43: {  	[sflag:s21] =	ssyncset.done $0x0  }
0x44: {  	s25 =	simm.s32 $0xA308;
	s24 =	rddreg [dreg:$0xb];
	[sflag:s21] =	ssyncadd.s32 $0xFFFFE780  }
0x45: {  	[tilespmem:s25], [sflag:$0x5] =	stream.linear.gather [hbm4b:s24+s17], $0x1880, $0x38;
	[tilespmem:$0x1F608] =	vst v63  }
0x46: {  	_ =	swait.ge [sflag:s21], $0x1880  }
0x47: {  	[sflag:s21] =	ssyncset.done $0x0  }
0x48: {  	s28 =	simm.s32 $0xBB88;
	s26 =	rddreg [dreg:$0xc];
	[sflag:s21] =	ssyncadd.s32 $0xFFFFE780  }
0x49: {  	[tilespmem:s28], [sflag:$0x5] =	stream.linear.gather [hbm4b:s26+s17], $0x1880, $0x38;
	[tilespmem:$0x1F608] =	vst v63  }
0x4a: {  	_ =	swait.ge [sflag:s21], $0x1880  }
0x4b: {  	[sflag:s21] =	ssyncset.done $0x0  }
0x4c: {  	s12 =	simm.s32 $0x0;
	s13 =	simm.s32 $0x40;
	[sflag:s21] =	ssyncadd.s32 $0xFFFFE780  }
.LBB2_6:
0x4d: {  	p2 =	sne.s32 s13, $0x61C0;
	v2 =	vld [tilespmem:s12+$0xA308]  }
0x4e: {  	v3 =	vld [tilespmem:s12+$0xBB88];
	_ =	sdelay $0x1  }
.Ltmp4:
0x4f: {  	(pc) =	sbr.rel @p2 .LBB2_6-.Ltmp4, $4  }
0x50: {  	_ = 	snop  }
0x51: {  	v2 =	vshll.u32 v2, $0x5  }
0x52: {  	v2 =	vadd.s32 v3, v2  }
0x53: {  	[tilespmem:s12+$0xA308] =	vst v2;
	s12 =	sshra.s32 s13, $0x2;
	s13 =	sadd.s32 $0x40, s13  }
0x54: {  	v2 =	vld [tilespmem:s12+$0xA308]  }
0x55: {  	v3 =	vld [tilespmem:s12+$0xBB88];
	_ =	sdelay $0x3  }
0x56: {  	v2 =	vshll.u32 v2, $0x5  }
0x57: {  	v2 =	vadd.s32 v3, v2  }
0x58: {  	s14 =	simm.s32 $0xA308;
	s13 =	simm.s32 $0x1880;
	[tilespmem:s12+$0xA308] =	vst v2  }
0x59: {  	[spmem:s3] =	stream.indirect.scatter [tilespmem:s14], [sflag:$0x2], $0x1, s20, s13, $0xb8;
	[tilespmem:$0x1F608] =	vst v63  }
0x5a: {  	s17 =	simm.s32 $0x0;
	s23 =	rddreg [dreg:$0xd];
	s14 =	simm.s32 $0xD408  }
0x5b: {  	[tilespmem:s14], [sflag:$0x5] =	stream.linear.gather [hbm4b:s23+s17], $0x1880, $0x38;
	[tilespmem:$0x1F608] =	vst v63  }
0x5c: {  	_ =	swait.ge [sflag:s21], $0x1880  }
0x5d: {  	[sflag:s21] =	ssyncset.done $0x0  }
0x5e: {  	s25 =	simm.s32 $0xEC88;
	s24 =	rddreg [dreg:$0xe];
	[sflag:s21] =	ssyncadd.s32 $0xFFFFE780  }
0x5f: {  	[tilespmem:s25], [sflag:$0x5] =	stream.linear.gather [hbm4b:s24+s17], $0x1880, $0x38;
	[tilespmem:$0x1F608] =	vst v63  }
0x60: {  	_ =	swait.ge [sflag:s21], $0x1880  }
0x61: {  	[sflag:s21] =	ssyncset.done $0x0  }
0x62: {  	s28 =	simm.s32 $0xBB88;
	s26 =	rddreg [dreg:$0xf];
	[sflag:s21] =	ssyncadd.s32 $0xFFFFE780  }
0x63: {  	[tilespmem:s28], [sflag:$0x5] =	stream.linear.gather [hbm4b:s26+s17], $0x1880, $0x38;
	[tilespmem:$0x1F608] =	vst v63  }
0x64: {  	_ =	swait.ge [sflag:s21], $0x1880  }
0x65: {  	[sflag:s21] =	ssyncset.done $0x0  }
0x66: {  	s12 =	simm.s32 $0x0;
	s13 =	simm.s32 $0x40;
	[sflag:s21] =	ssyncadd.s32 $0xFFFFE780  }
.LBB2_8:
0x67: {  	p2 =	sne.s32 s13, $0x61C0;
	v2 =	vld [tilespmem:s12+$0xEC88]  }
0x68: {  	v3 =	vld [tilespmem:s12+$0xBB88];
	_ =	sdelay $0x1  }
.Ltmp5:
0x69: {  	(pc) =	sbr.rel @p2 .LBB2_8-.Ltmp5, $4  }
0x6a: {  	_ = 	snop  }
0x6b: {  	v2 =	vshll.u32 v2, $0x5  }
0x6c: {  	v2 =	vadd.s32 v3, v2  }
0x6d: {  	[tilespmem:s12+$0xEC88] =	vst v2;
	s12 =	sshra.s32 s13, $0x2;
	s13 =	sadd.s32 $0x40, s13  }
0x6e: {  	v2 =	vld [tilespmem:s12+$0xEC88]  }
0x6f: {  	v3 =	vld [tilespmem:s12+$0xBB88];
	_ =	sdelay $0x3  }
0x70: {  	v2 =	vshll.u32 v2, $0x5  }
0x71: {  	v2 =	vadd.s32 v3, v2  }
0x72: {  	s24 =	simm.s32 $0x1880;
	s13 =	simm.s32 $0xD408;
	s14 =	simm.s32 $0xEC88;
	[tilespmem:s12+$0xEC88] =	vst v2  }
0x73: {  	[spmem:s3] =	stream.indirect.scatter [tilespmem:s14], [sflag:$0x3], $0x1, s13, s24, $0xb8;
	[tilespmem:$0x1F608] =	vst v63  }
0x74: {  	s25 =	simm.s32 $0x0;
	s26 =	rddreg [dreg:$0x10];
	s28 =	simm.s32 $0x10508  }
0x75: {  	[tilespmem:s28], [sflag:$0x5] =	stream.linear.gather [hbm4b:s26+s25], $0xC40, $0x38;
	[tilespmem:$0x1F608] =	vst v63  }
0x76: {  	_ =	swait.ge [sflag:s21], $0xC40  }
0x77: {  	[sflag:s21] =	ssyncset.done $0x0  }
0x78: {  	s12 =	simm.s32 $0x40;
	s13 =	simm.s32 $0x0;
	[sflag:s21] =	ssyncadd.s32 $0xFFFFF3C0  }
.LBB2_10:
0x79: {  	p2 =	sne.s32 s12, $0x30C0;
	[tilespmem:s13+$0x11188] =	vst v1;
	s13 =	smov.u32 s12;
	s12 =	sadd.s32 $0x40, s12  }
.Ltmp6:
0x7a: {  	(pc) =	sbr.rel @p2 .LBB2_10-.Ltmp6, $2  }
0x7b: {  	_ =	sdelay $0x2  }
0x7c: {  	s13 =	sshra.s32 s13, $0x2  }
0x7d: {  	[tilespmem:s13+$0x11188] =	vst v1;
	s12 =	simm.s32 $0x10508;
	s26 =	simm.s32 $0xC40;
	s14 =	simm.s32 $0x11188  }
0x7e: {  	[spmem:s3] =	stream.indirect.scatter [tilespmem:s14], [sflag:$0x4], $0x1, s12, s26, $0xb8;
	[tilespmem:$0x1F608] =	vst v63  }
0x7f: {  	_ =	swait.ge [sflag:s31], $0x1880  }
0x80: {  	[sflag:s31] =	ssyncset.done $0x0  }
0x81: {  	[sflag:s31] =	ssyncadd.s32 $0xFFFFE780  }
0x82: {  	_ =	swait.ge [sflag:s0], $0x1880  }
0x83: {  	[sflag:s0] =	ssyncset.done $0x0  }
0x84: {  	[sflag:s0] =	ssyncadd.s32 $0xFFFFE780  }
0x85: {  	_ =	swait.ge [sflag:s2], $0xC40  }
0x86: {  	[sflag:s2] =	ssyncset.done $0x0  }
0x87: {  	s12 =	simm.s32 @!p0 $0x1;
	[sflag:s2] =	ssyncadd.s32 $0xFFFFF3C0  }
0x88: {  	_ =	swait.ge @!p0 [sflag:s12], $0x2010  }
0x89: {  	[sflag:s12] =	ssyncset.done @!p0 $0x0  }
0x8a: {  	[sflag:s12] =	ssyncadd.s32 @!p0 $0xFFFFDFF0  }
0x8b: {  	[bflag:$0x0] =	sbarrier.arrive $0xFFFF  }
.Ltmp7:
0x8c: {  	s28 =	rddreg [dreg:$0x6];
	(pc) =	sbr.rel .LBB2_12-.Ltmp7, $4  }
0x8d: {  	[tilespmem:s20], [sflag:$0x5] =	stream.linear.gather [spmem:s28], $0x10080, $0x38;
	[tilespmem:$0x1F608] =	vst v63  }
0x8e: {  	_ =	swait.ge [sflag:s21], $0x10080  }
0x8f: {  	[sflag:s21] =	ssyncset.done $0x0  }
0x90: {  	s12 =	simm.s32 $0x0;
	[sflag:s21] =	ssyncadd.s32 $0xFFFEFF80  }
.LBB2_21:
0x91: {  	_ =	sdelay $0x2  }
0x92: {  	[tilespmem:s13+$0x1D708] =	vst v4  }
0x93: {  	v43 =	vld.idx.msk [tilespmem:v11+s20+$0x0], $0xffff;
	[tilespmem:s13+$0x1D788] =	vst v7  }
0x94: {  	v44 =	vld.idx.msk [tilespmem:v12+s20+$0x0], $0xffff;
	v45 =	vadd.s32 $0x6030, v2;
	[tilespmem:s13+$0x1D808] =	vst v9;
	s14 =	sadd.s32 $0x80, s24  }
0x95: {  	v46 =	vld.idx.msk [tilespmem:v13+s20+$0x0], $0xffff;
	s17 =	sand.u32 $0x70, s25;
	v47 =	vadd.s32 $0x7038, v2;
	[tilespmem:s13+$0x1D888] =	vst v5;
	s24 =	sand.u32 $0x1C00, s14  }
0x96: {  	v48 =	vld.idx.msk [tilespmem:v10+s20+$0x0], $0xffff;
	v49 =	vadd.s32 $0x8040, v2;
	[tilespmem:s13+$0x1D908] =	vst v3;
	s17 =	sor.u32 s17, s24  }
0x97: {  	v3 =	vld.idx.msk [tilespmem:v8+s20+$0x0], $0xffff;
	v50 =	vadd.s32 $0x9048, v2;
	[tilespmem:s13+$0x1D988] =	vst v6;
	s24 =	sadd.s32 $0x1BE08, s17  }
0x98: {  	v51 =	vld.idx.msk [tilespmem:v2+s20+$0x0], $0xffff;
	v52 =	vadd.s32 $0xA050, v2;
	[tilespmem:s24+$0x280] =	vst v43  }
0x99: {  	v54 =	vadd.s32 $0xB058, v2;
	[tilespmem:s24+$0x200] =	vst v44;
	v53 =	vld.idx.msk [tilespmem:v45+s20+$0x0], $0xffff  }
0x9a: {  	v56 =	vadd.s32 $0xC060, v2;
	[tilespmem:s24+$0x180] =	vst v46;
	v55 =	vld.idx.msk [tilespmem:v47+s20+$0x0], $0xffff  }
0x9b: {  	v58 =	vadd.s32 $0xD068, v2;
	[tilespmem:s24+$0x100] =	vst v48;
	v57 =	vld.idx.msk [tilespmem:v49+s20+$0x0], $0xffff  }
0x9c: {  	v59 =	vadd.s32 $0xE070, v2;
	[tilespmem:s24+$0x80] =	vst v3;
	v3 =	vld.idx.msk [tilespmem:v50+s20+$0x0], $0xffff  }
0x9d: {  	v2 =	vadd.s32 $0xF078, v2;
	s26 =	sor.u32 s14, s25;
	v4 =	vld.idx.msk [tilespmem:v52+s20+$0x0], $0xffff;
	[tilespmem:s17+$0x1BE08] =	vst v51  }
0x9e: {  	s13 =	sor.u32 $0x380, s26;
	v60 =	vld.idx.msk [tilespmem:v54+s20+$0x0], $0xffff;
	[tilespmem:s24+$0x300] =	vst v53  }
0x9f: {  	v61 =	vld.idx.msk [tilespmem:v56+s20+$0x0], $0xffff;
	[tilespmem:s13+$0x1BE08] =	vst v55  }
0xa0: {  	v62 =	vld.idx.msk [tilespmem:v58+s20+$0x0], $0xffff;
	[tilespmem:s17+$0x1D608] =	vst v57  }
0xa1: {  	v63 =	vld.idx.msk [tilespmem:v59+s20+$0x0], $0xffff;
	[tilespmem:s17+$0x1D688] =	vst v3  }
0xa2: {  	v2 =	vld.idx.msk [tilespmem:v2+s20+$0x0], $0xffff;
	[tilespmem:s17+$0x1D708] =	vst v4  }
0xa3: {  	[tilespmem:s17+$0x1D788] =	vst v60  }
0xa4: {  	[tilespmem:s17+$0x1D808] =	vst v61  }
0xa5: {  	s28 =	smul.u32 $0x300, s23;
	[tilespmem:s17+$0x1D888] =	vst v62  }
0xa6: {  	[tilespmem:s17+$0x1D908] =	vst v63  }
0xa7: {  	s13 =	sadd.s32 s1, s28;
	[tilespmem:s17+$0x1D988] =	vst v2  }
0xa8: {  	[hbm4b:s13+s30] =	stream.strided.scatter [tilespmem:s9], [sflag:$0x3], $0x3000, s6, s30, $0x38;
	[tilespmem:$0x1F608] =	vst v63  }
.LBB2_22:
0xa9: {  	s12 =	sadd.s32 $0x1, s12  }
0xaa: {  	p2 =	sne.s32 s12, $0xB  }
.Ltmp8:
0xab: {  	_ = 	snop;
	(pc) =	sbr.rel @!p2 .LBB2_23-.Ltmp8, $1  }
0xac: {  	_ =	sdelay $0x3  }
.LBB2_12:
0xad: {  	s13 =	sshll.u32 s12, $0x6  }
0xae: {  	s23 =	sor.u32 s7, s13  }
0xaf: {  	p3 =	sgt.u32 s23, $0x28A  }
.Ltmp9:
0xb0: {  	p2 =	seq.s32 s12, $0x0;
	(pc) =	sbr.rel @p3 .LBB2_16-.Ltmp9, $4  }
0xb1: {  	s14 =	simm.s32 @!p2 $0x2  }
0xb2: {  	_ =	swait.ge @!p2 [sflag:s14], $0x3000  }
0xb3: {  	[sflag:s14] =	ssyncset.done @!p2 $0x0  }
0xb4: {  	[sflag:s14] =	ssyncadd.s32 @!p2 $0xFFFFD000  }
0xb5: {  	s13 =	smul.u32 $0xC00, s23;
	_ =	sdelay $0x1  }
0xb6: {  	s13 =	sshra.s32 s13, $0x2  }
0xb7: {  	s14 =	simm.s32 $0x18B08;
	s13 =	sadd.s32 s13, s3  }
0xb8: {  	[tilespmem:s14], [sflag:$0x6] =	stream.linear.gather [spmem:s13], $0x300, $0x38;
	[tilespmem:$0x1F608] =	vst v63  }
0xb9: {  	_ =	swait.ge [sflag:s29], $0x300  }
0xba: {  	[sflag:s29] =	ssyncset.done $0x0  }
0xbb: {  	[sflag:s29] =	ssyncadd.s32 $0xFFFFFD00  }
0xbc: {  	v3 =	vld [tilespmem:s14+$0x0];
	_ =	sdelay $0x4  }
0xbd: {  	v2 =	vadd.s32 $0x5028, v3  }
0xbe: {  	v4 =	vadd.s32 $0x4020, v3  }
0xbf: {  	v5 =	vadd.s32 $0x3018, v3  }
0xc0: {  	v6 =	vadd.s32 $0x2010, v3  }
0xc1: {  	v7 =	vadd.s32 $0x1008, v3;
	v13 =	vld.idx.msk [tilespmem:v3+s20+$0x0], $0xffff  }
0xc2: {  	v8 =	vld.idx.msk [tilespmem:v2+s20+$0x0], $0xffff  }
0xc3: {  	v10 =	vadd.s32 $0x7038, v3;
	v4 =	vld.idx.msk [tilespmem:v4+s20+$0x0], $0xffff  }
0xc4: {  	v9 =	vadd.s32 $0x6030, v3;
	v5 =	vld.idx.msk [tilespmem:v5+s20+$0x0], $0xffff  }
0xc5: {  	s24 =	simm.s32 $0x0;
	v11 =	vadd.s32 $0x8040, v3;
	v6 =	vld.idx.msk [tilespmem:v6+s20+$0x0], $0xffff  }
0xc6: {  	s26 =	sand.u32 $0x70, s24;
	s25 =	sand.u32 $0x1C00, s24;
	s14 =	simm.s32 $0x18B18;
	v12 =	vadd.s32 $0x9048, v3;
	v7 =	vld.idx.msk [tilespmem:v7+s20+$0x0], $0xffff  }
0xc7: {  	s13 =	sor.u32 s26, s25;
	v14 =	vadd.s32 $0xA050, v3;
	v2 =	vld [tilespmem:s14+$0x0]  }
0xc8: {  	s25 =	sadd.s32 $0x18E08, s13;
	v17 =	vadd.s32 $0xE070, v3;
	v10 =	vld.idx.msk [tilespmem:v10+s20+$0x0], $0xffff;
	[tilespmem:s13+$0x18E08] =	vst v13  }
0xc9: {  	[tilespmem:s25+$0x280] =	vst v8;
	v8 =	vld.idx.msk [tilespmem:v9+s20+$0x0], $0xffff;
	v9 =	vadd.s32 $0xB058, v3  }
0xca: {  	v15 =	vadd.s32 $0xC060, v3;
	v16 =	vld.idx.msk [tilespmem:v11+s20+$0x0], $0xffff;
	[tilespmem:s25+$0x180] =	vst v5  }
0xcb: {  	v5 =	vadd.s32 $0xD068, v3;
	[tilespmem:s25+$0x100] =	vst v6;
	v6 =	vld.idx.msk [tilespmem:v12+s20+$0x0], $0xffff  }
0xcc: {  	[tilespmem:s25+$0x200] =	vst v4;
	v4 =	vld.idx.msk [tilespmem:v14+s20+$0x0], $0xffff;
	v14 =	vadd.s32 $0xF078, v3  }
0xcd: {  	s26 =	sor.u32 s24, s24;
	[tilespmem:s25+$0x80] =	vst v7;
	v11 =	vadd.s32 $0x5028, v2;
	v3 =	vld.idx.msk [tilespmem:v17+s20+$0x0], $0xffff  }
0xce: {  	s28 =	sor.u32 $0x380, s26;
	v12 =	vadd.s32 $0x4020, v2;
	v7 =	vld.idx.msk [tilespmem:v9+s20+$0x0], $0xffff;
	[tilespmem:s25+$0x300] =	vst v8  }
0xcf: {  	v13 =	vadd.s32 $0x3018, v2;
	v9 =	vld.idx.msk [tilespmem:v15+s20+$0x0], $0xffff;
	[tilespmem:s28+$0x18E08] =	vst v10  }
0xd0: {  	v5 =	vld.idx.msk [tilespmem:v5+s20+$0x0], $0xffff;
	v10 =	vadd.s32 $0x2010, v2;
	[tilespmem:s13+$0x1A608] =	vst v16  }
0xd1: {  	s26 =	simm.s32 $0x20;
	s25 =	simm.s32 $0x10;
	v8 =	vadd.s32 $0x1008, v2;
	[tilespmem:s13+$0x1A688] =	vst v6;
	v6 =	vld.idx.msk [tilespmem:v14+s20+$0x0], $0xffff  }
.LBB2_14:
0xd2: {  	p3 =	sne.s32 s26, $0x2F0;
	v11 =	vld.idx.msk [tilespmem:v11+s20+$0x0], $0xffff;
	[tilespmem:s13+$0x1A708] =	vst v4  }
0xd3: {  	v4 =	vld.idx.msk [tilespmem:v12+s20+$0x0], $0xffff;
	[tilespmem:s13+$0x1A788] =	vst v7  }
0xd4: {  	s24 =	sadd.s32 $0x80, s24;
	v12 =	vadd.s32 $0x6030, v2;
	v7 =	vld.idx.msk [tilespmem:v13+s20+$0x0], $0xffff;
	[tilespmem:s13+$0x1A808] =	vst v9  }
0xd5: {  	s17 =	sand.u32 $0x70, s25;
	s28 =	sand.u32 $0x1C00, s24;
	v9 =	vld.idx.msk [tilespmem:v10+s20+$0x0], $0xffff;
	v10 =	vadd.s32 $0x7038, v2;
	[tilespmem:s13+$0x1A888] =	vst v5  }
0xd6: {  	s14 =	sadd.s32 $0x10, s14;
	s17 =	sor.u32 s17, s28;
	v5 =	vld.idx.msk [tilespmem:v8+s20+$0x0], $0xffff;
	v8 =	vadd.s32 $0x8040, v2;
	[tilespmem:s13+$0x1A908] =	vst v3  }
0xd7: {  	v13 =	vadd.s32 $0x9048, v2;
	s28 =	sadd.s32 $0x18E08, s17;
	v3 =	vld [tilespmem:s14+$0x0];
	[tilespmem:s13+$0x1A988] =	vst v6;
	s13 =	smov.u32 s17  }
0xd8: {  	v6 =	vld.idx.msk [tilespmem:v2+s20+$0x0], $0xffff;
	[tilespmem:s28+$0x280] =	vst v11;
	v11 =	vadd.s32 $0xA050, v2  }
0xd9: {  	[tilespmem:s28+$0x200] =	vst v4;
	v14 =	vld.idx.msk [tilespmem:v12+s20+$0x0], $0xffff;
	v12 =	vadd.s32 $0xB058, v2  }
0xda: {  	v15 =	vadd.s32 $0xC060, v2;
	[tilespmem:s28+$0x180] =	vst v7;
	v10 =	vld.idx.msk [tilespmem:v10+s20+$0x0], $0xffff  }
0xdb: {  	v16 =	vadd.s32 $0xD068, v2;
	[tilespmem:s28+$0x100] =	vst v9;
	v8 =	vld.idx.msk [tilespmem:v8+s20+$0x0], $0xffff  }
0xdc: {  	v18 =	vadd.s32 $0xE070, v2;
	[tilespmem:s28+$0x80] =	vst v5;
	v17 =	vld.idx.msk [tilespmem:v13+s20+$0x0], $0xffff  }
0xdd: {  	v19 =	vadd.s32 $0xF078, v2;
	v2 =	vmov v3;
	v4 =	vld.idx.msk [tilespmem:v11+s20+$0x0], $0xffff  }
.Ltmp10:
0xde: {  	s17 =	sor.u32 s24, s25;
	s25 =	smov.u32 s26;
	v11 =	vadd.s32 $0x5028, v2;
	[tilespmem:s13+$0x18E08] =	vst v6;
	v7 =	vld.idx.msk [tilespmem:v12+s20+$0x0], $0xffff;
	(pc) =	sbr.rel @p3 .LBB2_14-.Ltmp10, $4  }
0xdf: {  	s17 =	sor.u32 $0x380, s17;
	v12 =	vadd.s32 $0x4020, v2;
	[tilespmem:s28+$0x300] =	vst v14;
	v9 =	vld.idx.msk [tilespmem:v15+s20+$0x0], $0xffff  }
0xe0: {  	v13 =	vadd.s32 $0x3018, v2;
	[tilespmem:s17+$0x18E08] =	vst v10;
	v5 =	vld.idx.msk [tilespmem:v16+s20+$0x0], $0xffff  }
0xe1: {  	v10 =	vadd.s32 $0x2010, v2;
	[tilespmem:s13+$0x1A608] =	vst v8;
	v3 =	vld.idx.msk [tilespmem:v18+s20+$0x0], $0xffff  }
0xe2: {  	s26 =	sadd.s32 $0x10, s26;
	v8 =	vadd.s32 $0x1008, v2;
	[tilespmem:s13+$0x1A688] =	vst v17;
	v6 =	vld.idx.msk [tilespmem:v19+s20+$0x0], $0xffff  }
0xe3: {  	_ =	sdelay $0x2  }
0xe4: {  	[tilespmem:s13+$0x1A708] =	vst v4  }
0xe5: {  	v43 =	vld.idx.msk [tilespmem:v11+s20+$0x0], $0xffff;
	[tilespmem:s13+$0x1A788] =	vst v7  }
0xe6: {  	v44 =	vld.idx.msk [tilespmem:v12+s20+$0x0], $0xffff;
	v45 =	vadd.s32 $0x6030, v2;
	s14 =	sadd.s32 $0x80, s24;
	[tilespmem:s13+$0x1A808] =	vst v9  }
0xe7: {  	v46 =	vld.idx.msk [tilespmem:v13+s20+$0x0], $0xffff;
	s17 =	sand.u32 $0x70, s25;
	v47 =	vadd.s32 $0x7038, v2;
	s24 =	sand.u32 $0x1C00, s14;
	[tilespmem:s13+$0x1A888] =	vst v5  }
0xe8: {  	v48 =	vld.idx.msk [tilespmem:v10+s20+$0x0], $0xffff;
	v49 =	vadd.s32 $0x8040, v2;
	s17 =	sor.u32 s17, s24;
	[tilespmem:s13+$0x1A908] =	vst v3  }
0xe9: {  	v51 =	vld.idx.msk [tilespmem:v2+s20+$0x0], $0xffff;
	v52 =	vadd.s32 $0xA050, v2;
	s24 =	sadd.s32 $0x18E08, s17;
	[tilespmem:s13+$0x1A988] =	vst v6  }
0xea: {  	v54 =	vadd.s32 $0xB058, v2;
	v3 =	vld.idx.msk [tilespmem:v8+s20+$0x0], $0xffff;
	[tilespmem:s24+$0x280] =	vst v43  }
0xeb: {  	v56 =	vadd.s32 $0xC060, v2;
	[tilespmem:s24+$0x200] =	vst v44;
	v53 =	vld.idx.msk [tilespmem:v45+s20+$0x0], $0xffff  }
0xec: {  	v58 =	vadd.s32 $0xD068, v2;
	[tilespmem:s24+$0x180] =	vst v46;
	v55 =	vld.idx.msk [tilespmem:v47+s20+$0x0], $0xffff  }
0xed: {  	v59 =	vadd.s32 $0xE070, v2;
	[tilespmem:s24+$0x100] =	vst v48;
	v57 =	vld.idx.msk [tilespmem:v49+s20+$0x0], $0xffff  }
0xee: {  	v50 =	vadd.s32 $0x9048, v2;
	v2 =	vadd.s32 $0xF078, v2;
	v4 =	vld.idx.msk [tilespmem:v52+s20+$0x0], $0xffff;
	[tilespmem:s17+$0x18E08] =	vst v51  }
0xef: {  	s26 =	sor.u32 s14, s25;
	v60 =	vld.idx.msk [tilespmem:v54+s20+$0x0], $0xffff;
	[tilespmem:s24+$0x80] =	vst v3  }
0xf0: {  	s13 =	sor.u32 $0x380, s26;
	v61 =	vld.idx.msk [tilespmem:v56+s20+$0x0], $0xffff;
	[tilespmem:s24+$0x300] =	vst v53  }
0xf1: {  	v62 =	vld.idx.msk [tilespmem:v58+s20+$0x0], $0xffff;
	[tilespmem:s13+$0x18E08] =	vst v55  }
0xf2: {  	v63 =	vld.idx.msk [tilespmem:v59+s20+$0x0], $0xffff;
	[tilespmem:s17+$0x1A608] =	vst v57  }
0xf3: {  	v2 =	vld.idx.msk [tilespmem:v2+s20+$0x0], $0xffff;
	[tilespmem:s17+$0x1A708] =	vst v4  }
0xf4: {  	v3 =	vld.idx.msk [tilespmem:v50+s20+$0x0], $0xffff;
	[tilespmem:s17+$0x1A788] =	vst v60  }
0xf5: {  	[tilespmem:s17+$0x1A808] =	vst v61  }
0xf6: {  	[tilespmem:s17+$0x1A888] =	vst v62  }
0xf7: {  	[tilespmem:s17+$0x1A908] =	vst v63  }
0xf8: {  	[tilespmem:s17+$0x1A988] =	vst v2  }
0xf9: {  	p3 =	sne.s32 s23, $0x0;
	[tilespmem:s17+$0x1A688] =	vst v3  }
0xfa: {  	v2 =	vld @!p3 [tilespmem:$0x18E08]  }
0xfb: {  	v3 =	vld @!p3 [tilespmem:$0x18E88]  }
0xfc: {  	v4 =	vld @!p3 [tilespmem:$0x18F08]  }
0xfd: {  	v5 =	vlaneseq.u32 @!p3;
	v6 =	vld @!p3 [tilespmem:$0x18F88]  }
0xfe: {  	vm0 =	veq.s32 @!p3 v5, $0x1;
	v5 =	vld @!p3 [tilespmem:$0x19008]  }
0xff: {  	v7 =	vld @!p3 [tilespmem:$0x19088];
	v2 =	vsel @!p3 vm0, $0x3F800000, v2  }
0x100: {  	[tilespmem:$0x18E08] =	vst @!p3 v2;
	v2 =	vsel @!p3 vm0, $0x3F800000, v3;
	v3 =	vld @!p3 [tilespmem:$0x19108]  }
0x101: {  	[tilespmem:$0x18E88] =	vst @!p3 v2;
	v2 =	vsel @!p3 vm0, $0x3F800000, v4;
	v4 =	vld @!p3 [tilespmem:$0x19188]  }
0x102: {  	[tilespmem:$0x18F08] =	vst @!p3 v2;
	v2 =	vsel @!p3 vm0, $0x3F800000, v6;
	v6 =	vld @!p3 [tilespmem:$0x1A608]  }
0x103: {  	[tilespmem:$0x18F88] =	vst @!p3 v2;
	v2 =	vsel @!p3 vm0, $0x3F800000, v5;
	v5 =	vld @!p3 [tilespmem:$0x1A688]  }
0x104: {  	[tilespmem:$0x19008] =	vst @!p3 v2;
	v2 =	vsel @!p3 vm0, $0x3F800000, v7;
	v7 =	vld @!p3 [tilespmem:$0x1A708]  }
0x105: {  	[tilespmem:$0x19088] =	vst @!p3 v2;
	v2 =	vsel @!p3 vm0, $0x3F800000, v3;
	v3 =	vld @!p3 [tilespmem:$0x1A788]  }
0x106: {  	[tilespmem:$0x19108] =	vst @!p3 v2;
	v2 =	vsel @!p3 vm0, $0x3F800000, v4;
	v4 =	vld @!p3 [tilespmem:$0x1A808]  }
0x107: {  	[tilespmem:$0x19188] =	vst @!p3 v2;
	v2 =	vsel @!p3 vm0, $0x3F800000, v6;
	v6 =	vld @!p3 [tilespmem:$0x1A888]  }
0x108: {  	[tilespmem:$0x1A608] =	vst @!p3 v2;
	v2 =	vsel @!p3 vm0, $0x3F800000, v5;
	v5 =	vld @!p3 [tilespmem:$0x1A908]  }
0x109: {  	[tilespmem:$0x1A688] =	vst @!p3 v2;
	v2 =	vsel @!p3 vm0, $0x3F800000, v7;
	v7 =	vld @!p3 [tilespmem:$0x1A988]  }
0x10a: {  	[tilespmem:$0x1A708] =	vst @!p3 v2;
	v2 =	vsel @!p3 vm0, $0x3F800000, v3  }
0x10b: {  	[tilespmem:$0x1A788] =	vst @!p3 v2;
	v2 =	vsel @!p3 vm0, $0x3F800000, v4  }
.Ltmp11:
0x10c: {  	[tilespmem:$0x1A808] =	vst @!p3 v2;
	v2 =	vsel @!p3 vm0, $0x3F800000, v6;
	(pc) =	sbr.rel .LBB2_18-.Ltmp11, $4  }
0x10d: {  	s28 =	smul.u32 $0x300, s23;
	[tilespmem:$0x1A888] =	vst @!p3 v2;
	v2 =	vsel @!p3 vm0, $0x3F800000, v5  }
0x10e: {  	[tilespmem:$0x1A908] =	vst @!p3 v2;
	v2 =	vsel @!p3 vm0, $0x3F800000, v7  }
0x10f: {  	s13 =	sadd.s32 s1, s28;
	[tilespmem:$0x1A988] =	vst @!p3 v2  }
0x110: {  	[hbm4b:s13+s30] =	stream.strided.scatter [tilespmem:s8], [sflag:$0x2], $0x3000, s6, s30, $0x38;
	[tilespmem:$0x1F608] =	vst v63  }
.LBB2_16:
0x111: {  	p3 =	sne.s32 s23, $0x28B  }
.Ltmp12:
0x112: {  	_ = 	snop;
	(pc) =	sbr.rel @p3 .LBB2_18-.Ltmp12, $1  }
0x113: {  	_ =	sdelay $0x3  }
0x114: {  	[tilespmem:s10], [sflag:$0x6] =	stream.linear.gather [spmem:s15], $0x20, $0x38;
	[tilespmem:$0x1F608] =	vst v63  }
0x115: {  	_ =	swait.ge [sflag:s29], $0x20  }
0x116: {  	[sflag:s29] =	ssyncset.done $0x0  }
0x117: {  	[sflag:s29] =	ssyncadd.s32 $0xFFFFFFE0  }
0x118: {  	v2 =	vld [tilespmem:$0x18B08]  }
0x119: {  	v13 =	vld [tilespmem:$0x18B18];
	_ =	sdelay $0x3  }
0x11a: {  	v3 =	vadd.s32 $0x1008, v2  }
0x11b: {  	v4 =	vadd.s32 $0x2010, v2  }
0x11c: {  	v5 =	vadd.s32 $0x3018, v2  }
0x11d: {  	v6 =	vadd.s32 $0x4020, v2;
	v7 =	vld.idx.msk [tilespmem:v2+s20+$0x0], $0xffff  }
0x11e: {  	v8 =	vadd.s32 $0x5028, v2;
	v43 =	vld.idx.msk [tilespmem:v13+s20+$0x0], $0xffff  }
0x11f: {  	v9 =	vadd.s32 $0x6030, v2;
	v3 =	vld.idx.msk [tilespmem:v3+s20+$0x0], $0xffff  }
0x120: {  	v11 =	vadd.s32 $0x8040, v2;
	v4 =	vld.idx.msk [tilespmem:v4+s20+$0x0], $0xffff  }
0x121: {  	v12 =	vadd.s32 $0x9048, v2;
	v5 =	vld.idx.msk [tilespmem:v5+s20+$0x0], $0xffff  }
0x122: {  	v28 =	vadd.s32 $0xA050, v2;
	v6 =	vld.idx.msk [tilespmem:v6+s20+$0x0], $0xffff;
	[tilespmem:$0x1EE08] =	vst v7  }
0x123: {  	v10 =	vadd.s32 $0x7038, v2;
	v8 =	vld.idx.msk [tilespmem:v8+s20+$0x0], $0xffff;
	[tilespmem:$0x1EE18] =	vst v43  }
0x124: {  	v29 =	vadd.s32 $0xB058, v2;
	v27 =	vld.idx.msk [tilespmem:v9+s20+$0x0], $0xffff;
	[tilespmem:$0x1EE88] =	vst v3  }
0x125: {  	v32 =	vadd.s32 $0xD068, v2;
	v31 =	vld.idx.msk [tilespmem:v11+s20+$0x0], $0xffff;
	[tilespmem:$0x1EF08] =	vst v4  }
0x126: {  	v34 =	vadd.s32 $0xE070, v2;
	v33 =	vld.idx.msk [tilespmem:v12+s20+$0x0], $0xffff;
	[tilespmem:$0x1EF88] =	vst v5  }
0x127: {  	v30 =	vadd.s32 $0xC060, v2;
	v2 =	vadd.s32 $0xF078, v2;
	v35 =	vld.idx.msk [tilespmem:v28+s20+$0x0], $0xffff;
	[tilespmem:$0x1F008] =	vst v6  }
0x128: {  	v3 =	vld.idx.msk [tilespmem:v10+s20+$0x0], $0xffff;
	[tilespmem:$0x1F088] =	vst v8  }
0x129: {  	v39 =	vadd.s32 $0x2010, v13;
	v36 =	vld.idx.msk [tilespmem:v29+s20+$0x0], $0xffff;
	[tilespmem:$0x1F108] =	vst v27  }
0x12a: {  	v41 =	vadd.s32 $0x3018, v13;
	v38 =	vld.idx.msk [tilespmem:v32+s20+$0x0], $0xffff;
	[tilespmem:$0x1F208] =	vst v31  }
0x12b: {  	v44 =	vadd.s32 $0x5028, v13;
	v40 =	vld.idx.msk [tilespmem:v34+s20+$0x0], $0xffff;
	[tilespmem:$0x1F288] =	vst v33  }
0x12c: {  	v42 =	vadd.s32 $0x4020, v13;
	v2 =	vld.idx.msk [tilespmem:v2+s20+$0x0], $0xffff;
	[tilespmem:$0x1F308] =	vst v35  }
0x12d: {  	v37 =	vadd.s32 $0x1008, v13;
	[tilespmem:$0x1F188] =	vst v3;
	v3 =	vld.idx.msk [tilespmem:v30+s20+$0x0], $0xffff  }
0x12e: {  	v47 =	vadd.s32 $0x7038, v13;
	v46 =	vld.idx.msk [tilespmem:v39+s20+$0x0], $0xffff;
	[tilespmem:$0x1F388] =	vst v36  }
0x12f: {  	v49 =	vadd.s32 $0x8040, v13;
	v48 =	vld.idx.msk [tilespmem:v41+s20+$0x0], $0xffff;
	[tilespmem:$0x1F488] =	vst v38  }
0x130: {  	v52 =	vadd.s32 $0xA050, v13;
	v51 =	vld.idx.msk [tilespmem:v44+s20+$0x0], $0xffff;
	[tilespmem:$0x1F508] =	vst v40  }
0x131: {  	v50 =	vadd.s32 $0x9048, v13;
	[tilespmem:$0x1F588] =	vst v2;
	v2 =	vld.idx.msk [tilespmem:v42+s20+$0x0], $0xffff  }
0x132: {  	v45 =	vadd.s32 $0x6030, v13;
	[tilespmem:$0x1F408] =	vst v3;
	v3 =	vld.idx.msk [tilespmem:v37+s20+$0x0], $0xffff  }
0x133: {  	v55 =	vadd.s32 $0xC060, v13;
	v54 =	vld.idx.msk [tilespmem:v47+s20+$0x0], $0xffff;
	[tilespmem:$0x1EF18] =	vst v46  }
0x134: {  	v57 =	vadd.s32 $0xD068, v13;
	v56 =	vld.idx.msk [tilespmem:v49+s20+$0x0], $0xffff;
	[tilespmem:$0x1EF98] =	vst v48  }
0x135: {  	v60 =	vadd.s32 $0xF078, v13;
	v59 =	vld.idx.msk [tilespmem:v52+s20+$0x0], $0xffff;
	[tilespmem:$0x1F098] =	vst v51  }
0x136: {  	v58 =	vadd.s32 $0xE070, v13;
	[tilespmem:$0x1F018] =	vst v2;
	v2 =	vld.idx.msk [tilespmem:v50+s20+$0x0], $0xffff  }
0x137: {  	v53 =	vadd.s32 $0xB058, v13;
	[tilespmem:$0x1EE98] =	vst v3;
	v3 =	vld.idx.msk [tilespmem:v45+s20+$0x0], $0xffff  }
0x138: {  	v61 =	vld.idx.msk [tilespmem:v55+s20+$0x0], $0xffff;
	[tilespmem:$0x1F198] =	vst v54  }
0x139: {  	v62 =	vld.idx.msk [tilespmem:v57+s20+$0x0], $0xffff;
	[tilespmem:$0x1F218] =	vst v56  }
0x13a: {  	v63 =	vld.idx.msk [tilespmem:v60+s20+$0x0], $0xffff;
	[tilespmem:$0x1F318] =	vst v59  }
0x13b: {  	[tilespmem:$0x1F298] =	vst v2;
	v2 =	vld.idx.msk [tilespmem:v58+s20+$0x0], $0xffff  }
0x13c: {  	[tilespmem:$0x1F118] =	vst v3;
	v3 =	vld.idx.msk [tilespmem:v53+s20+$0x0], $0xffff  }
0x13d: {  	[tilespmem:$0x1F418] =	vst v61  }
0x13e: {  	[tilespmem:$0x1F498] =	vst v62  }
0x13f: {  	[tilespmem:$0x1F598] =	vst v63  }
0x140: {  	[tilespmem:$0x1F518] =	vst v2  }
0x141: {  	[tilespmem:$0x1F398] =	vst v3  }
0x142: {  	[hbm4b:s16+s11] =	stream.strided.scatter [tilespmem:s22], [sflag:$0x6], $0x800, s6, s11, $0x38;
	[tilespmem:$0x1F608] =	vst v63  }
0x143: {  	_ =	swait.ge [sflag:s29], $0x800  }
0x144: {  	[sflag:s29] =	ssyncset.done $0x0  }
0x145: {  	[sflag:s29] =	ssyncadd.s32 $0xFFFFF800  }
.LBB2_18:
0x146: {  	s23 =	sor.u32 $0x20, s23  }
0x147: {  	p3 =	sgt.u32 s23, $0x28A  }
.Ltmp13:
0x148: {  	_ = 	snop;
	(pc) =	sbr.rel @p3 .LBB2_22-.Ltmp13, $4  }
0x149: {  	s13 =	simm.s32 @!p2 $0x3  }
0x14a: {  	_ =	swait.ge @!p2 [sflag:s13], $0x3000  }
0x14b: {  	[sflag:s13] =	ssyncset.done @!p2 $0x0  }
0x14c: {  	[sflag:s13] =	ssyncadd.s32 @!p2 $0xFFFFD000  }
0x14d: {  	s13 =	smul.u32 $0xC00, s23;
	_ =	sdelay $0x1  }
0x14e: {  	s13 =	sshra.s32 s13, $0x2  }
0x14f: {  	s14 =	simm.s32 $0x18B08;
	s13 =	sadd.s32 s13, s3  }
0x150: {  	[tilespmem:s14], [sflag:$0x6] =	stream.linear.gather [spmem:s13], $0x300, $0x38;
	[tilespmem:$0x1F608] =	vst v63  }
0x151: {  	_ =	swait.ge [sflag:s29], $0x300  }
0x152: {  	[sflag:s29] =	ssyncset.done $0x0  }
0x153: {  	[sflag:s29] =	ssyncadd.s32 $0xFFFFFD00  }
0x154: {  	v3 =	vld [tilespmem:s14+$0x0];
	_ =	sdelay $0x4  }
0x155: {  	v2 =	vadd.s32 $0x5028, v3  }
0x156: {  	v4 =	vadd.s32 $0x4020, v3  }
0x157: {  	v5 =	vadd.s32 $0x3018, v3  }
0x158: {  	v6 =	vadd.s32 $0x2010, v3  }
0x159: {  	v7 =	vadd.s32 $0x1008, v3;
	v13 =	vld.idx.msk [tilespmem:v3+s20+$0x0], $0xffff  }
0x15a: {  	v8 =	vld.idx.msk [tilespmem:v2+s20+$0x0], $0xffff  }
0x15b: {  	v10 =	vadd.s32 $0x7038, v3;
	v4 =	vld.idx.msk [tilespmem:v4+s20+$0x0], $0xffff  }
0x15c: {  	v9 =	vadd.s32 $0x6030, v3;
	v5 =	vld.idx.msk [tilespmem:v5+s20+$0x0], $0xffff  }
0x15d: {  	s24 =	simm.s32 $0x0;
	v11 =	vadd.s32 $0x8040, v3;
	v6 =	vld.idx.msk [tilespmem:v6+s20+$0x0], $0xffff  }
0x15e: {  	s26 =	sand.u32 $0x70, s24;
	s17 =	sand.u32 $0x1C00, s24;
	s14 =	simm.s32 $0x18B18;
	v12 =	vadd.s32 $0x9048, v3;
	v7 =	vld.idx.msk [tilespmem:v7+s20+$0x0], $0xffff  }
0x15f: {  	s13 =	sor.u32 s26, s17;
	v14 =	vadd.s32 $0xA050, v3;
	v2 =	vld [tilespmem:s14+$0x0]  }
0x160: {  	s17 =	sadd.s32 $0x1BE08, s13;
	v17 =	vadd.s32 $0xE070, v3;
	v10 =	vld.idx.msk [tilespmem:v10+s20+$0x0], $0xffff;
	[tilespmem:s13+$0x1BE08] =	vst v13  }
0x161: {  	[tilespmem:s17+$0x280] =	vst v8;
	v8 =	vld.idx.msk [tilespmem:v9+s20+$0x0], $0xffff;
	v9 =	vadd.s32 $0xB058, v3  }
0x162: {  	v15 =	vadd.s32 $0xC060, v3;
	v16 =	vld.idx.msk [tilespmem:v11+s20+$0x0], $0xffff;
	[tilespmem:s17+$0x180] =	vst v5  }
0x163: {  	v5 =	vadd.s32 $0xD068, v3;
	[tilespmem:s17+$0x100] =	vst v6;
	v6 =	vld.idx.msk [tilespmem:v12+s20+$0x0], $0xffff  }
0x164: {  	[tilespmem:s17+$0x200] =	vst v4;
	v4 =	vld.idx.msk [tilespmem:v14+s20+$0x0], $0xffff;
	v14 =	vadd.s32 $0xF078, v3  }
0x165: {  	s25 =	sor.u32 s24, s24;
	[tilespmem:s17+$0x80] =	vst v7;
	v11 =	vadd.s32 $0x5028, v2;
	v3 =	vld.idx.msk [tilespmem:v17+s20+$0x0], $0xffff  }
0x166: {  	s28 =	sor.u32 $0x380, s25;
	v12 =	vadd.s32 $0x4020, v2;
	v7 =	vld.idx.msk [tilespmem:v9+s20+$0x0], $0xffff;
	[tilespmem:s17+$0x300] =	vst v8  }
0x167: {  	v13 =	vadd.s32 $0x3018, v2;
	v9 =	vld.idx.msk [tilespmem:v15+s20+$0x0], $0xffff;
	[tilespmem:s28+$0x1BE08] =	vst v10  }
0x168: {  	v5 =	vld.idx.msk [tilespmem:v5+s20+$0x0], $0xffff;
	v10 =	vadd.s32 $0x2010, v2;
	[tilespmem:s13+$0x1D608] =	vst v16  }
0x169: {  	s25 =	simm.s32 $0x10;
	s26 =	simm.s32 $0x20;
	v8 =	vadd.s32 $0x1008, v2;
	[tilespmem:s13+$0x1D688] =	vst v6;
	v6 =	vld.idx.msk [tilespmem:v14+s20+$0x0], $0xffff  }
.LBB2_20:
0x16a: {  	p2 =	sne.s32 s26, $0x2F0;
	v11 =	vld.idx.msk [tilespmem:v11+s20+$0x0], $0xffff;
	[tilespmem:s13+$0x1D708] =	vst v4  }
0x16b: {  	v4 =	vld.idx.msk [tilespmem:v12+s20+$0x0], $0xffff;
	[tilespmem:s13+$0x1D788] =	vst v7  }
0x16c: {  	s24 =	sadd.s32 $0x80, s24;
	v12 =	vadd.s32 $0x6030, v2;
	v7 =	vld.idx.msk [tilespmem:v13+s20+$0x0], $0xffff;
	[tilespmem:s13+$0x1D808] =	vst v9  }
0x16d: {  	s17 =	sand.u32 $0x70, s25;
	s28 =	sand.u32 $0x1C00, s24;
	v9 =	vld.idx.msk [tilespmem:v10+s20+$0x0], $0xffff;
	v10 =	vadd.s32 $0x7038, v2;
	[tilespmem:s13+$0x1D888] =	vst v5  }
0x16e: {  	s14 =	sadd.s32 $0x10, s14;
	s17 =	sor.u32 s17, s28;
	v5 =	vld.idx.msk [tilespmem:v8+s20+$0x0], $0xffff;
	v8 =	vadd.s32 $0x8040, v2;
	[tilespmem:s13+$0x1D908] =	vst v3  }
0x16f: {  	v13 =	vadd.s32 $0x9048, v2;
	s28 =	sadd.s32 $0x1BE08, s17;
	v3 =	vld [tilespmem:s14+$0x0];
	[tilespmem:s13+$0x1D988] =	vst v6;
	s13 =	smov.u32 s17  }
0x170: {  	v6 =	vld.idx.msk [tilespmem:v2+s20+$0x0], $0xffff;
	[tilespmem:s28+$0x280] =	vst v11;
	v11 =	vadd.s32 $0xA050, v2  }
0x171: {  	[tilespmem:s28+$0x200] =	vst v4;
	v14 =	vld.idx.msk [tilespmem:v12+s20+$0x0], $0xffff;
	v12 =	vadd.s32 $0xB058, v2  }
0x172: {  	v15 =	vadd.s32 $0xC060, v2;
	[tilespmem:s28+$0x180] =	vst v7;
	v10 =	vld.idx.msk [tilespmem:v10+s20+$0x0], $0xffff  }
0x173: {  	v16 =	vadd.s32 $0xD068, v2;
	[tilespmem:s28+$0x100] =	vst v9;
	v8 =	vld.idx.msk [tilespmem:v8+s20+$0x0], $0xffff  }
0x174: {  	v18 =	vadd.s32 $0xE070, v2;
	[tilespmem:s28+$0x80] =	vst v5;
	v17 =	vld.idx.msk [tilespmem:v13+s20+$0x0], $0xffff  }
0x175: {  	v19 =	vadd.s32 $0xF078, v2;
	v2 =	vmov v3;
	v4 =	vld.idx.msk [tilespmem:v11+s20+$0x0], $0xffff  }
.Ltmp14:
0x176: {  	s17 =	sor.u32 s24, s25;
	s25 =	smov.u32 s26;
	v11 =	vadd.s32 $0x5028, v2;
	[tilespmem:s13+$0x1BE08] =	vst v6;
	v7 =	vld.idx.msk [tilespmem:v12+s20+$0x0], $0xffff;
	(pc) =	sbr.rel @p2 .LBB2_20-.Ltmp14, $4  }
0x177: {  	s17 =	sor.u32 $0x380, s17;
	v12 =	vadd.s32 $0x4020, v2;
	[tilespmem:s28+$0x300] =	vst v14;
	v9 =	vld.idx.msk [tilespmem:v15+s20+$0x0], $0xffff  }
0x178: {  	v13 =	vadd.s32 $0x3018, v2;
	[tilespmem:s17+$0x1BE08] =	vst v10;
	v5 =	vld.idx.msk [tilespmem:v16+s20+$0x0], $0xffff  }
0x179: {  	v10 =	vadd.s32 $0x2010, v2;
	[tilespmem:s13+$0x1D608] =	vst v8;
	v3 =	vld.idx.msk [tilespmem:v18+s20+$0x0], $0xffff  }
0x17a: {  	s26 =	sadd.s32 $0x10, s26;
	v8 =	vadd.s32 $0x1008, v2;
	[tilespmem:s13+$0x1D688] =	vst v17;
	v6 =	vld.idx.msk [tilespmem:v19+s20+$0x0], $0xffff  }
.Ltmp15:
0x17b: {  	_ = 	snop;
	(pc) =	sbr.rel .LBB2_21-.Ltmp15, $1  }
0x17c: {  	_ =	sdelay $0x3  }
.LBB2_24:
0x17d: {  	_ =	sfence.sel $0x180000  }
0x17e: {  	[bflag:$0x0] =	sbarrier.arrive $0xFFFF  }
0x17f: {  	_ =	strace $0x90000047  }
0x180: {  	[bflag:$0x2] =	sbarrier.arrive $0xFFFF  }
0x181: {  	s0 =	rddreg [dreg:$0x8]  }
0x182: {  	s0 =	sadd.s32 @!p0 $0x100000, s0  }
0x183: {  	[sflag:s0] =	ssyncadd.tile.s32 @!p0 $0x1;
	_ =	shalt  }
.Lfunc_end2:
_tile_overlayer_lowered:
.L_overlay_start_2:
0x184: {  	(tag) =	ssettag $0x2  }
0x185: {  	s0 =	rddreg [dreg:$0x0];
	s2 =	stileid.u32  }
0x186: {  	s1 =	rddreg [dreg:$0x1];
	p0 =	sne.s32 s2, $0x0  }
0x187: {  	s3 =	rddreg [dreg:$0x2];
	[bflag:$0x3] =	sbarrier.arrive $0xFFFF;
	s2 =	simm.s32 @!p0 $0x1C05  }
0x188: {  	[timem:s3], [sflag:s2] =	dma.local @!p0 [hbm:s0], s1  }
0x189: {  	s0 =	simm.s32 @!p0 $0x5  }
0x18a: {  	_ =	swait.ge @!p0 [sflag:s0], s1  }
0x18b: {  	s1 =	ssub.s32 @!p0 $0x0, s1;
	[sflag:s0] =	ssyncset.done @!p0 $0x0  }
0x18c: {  	[sflag:s0] =	ssyncadd.s32 @!p0 s1  }
0x18d: {  	[bflag:$0x3] =	sbarrier.arrive $0xFFFF  }
0x18e: {  	_ =	shalt  }

</sc_bundles>
